<compile_context>
chip_gen: v7x
topology: tpu7x:2x2x1
jax: 0.10.2.dev20260603
libtpu: 0.0.44.dev20260713+nightly
codegen_flags: <defaults>
</compile_context>

<pallas_src>
import functools

import jax
import jax.numpy as jnp
from jax import lax
from jax.experimental import pallas as pl
from jax.experimental.pallas import tpu as pltpu
from jax.experimental.pallas import tpu_sc as plsc

N_FIELDS = 26
VOCAB = 100000
DIM = 32
BATCH = 4096

NUM_CORES = 2
NUM_SUBCORES = 16
LANES = 16
NW = NUM_CORES * NUM_SUBCORES

ROWS = BATCH * N_FIELDS
ROWS_W = ROWS // NW
GATHER_CHUNK = 128
N_CHUNKS = ROWS_W // GATHER_CHUNK


def _body(tab_hbm, idx_hbm, out_hbm, idx_v, rows_v, sem):
    wid = lax.axis_index("s") * NUM_CORES + lax.axis_index("c")
    base = wid * ROWS_W

    pltpu.sync_copy(idx_hbm.at[pl.ds(base, ROWS_W)], idx_v)

    lane = lax.iota(jnp.int32, LANES)

    def add_offsets(i, _):
        pos = lane + i * LANES
        f = lax.rem(pos, N_FIELDS)
        sl = pl.ds(i * LANES, LANES)
        idx_v[sl] = idx_v[sl] + f * VOCAB
        return _

    lax.fori_loop(0, ROWS_W // LANES, add_offsets, None)

    group = 13
    for g in range(N_CHUNKS // group):
        copies = []
        for j in range(g * group, (g + 1) * group):
            sl = pl.ds(j * GATHER_CHUNK, GATHER_CHUNK)
            copies.append(
                pltpu.make_async_copy(tab_hbm.at[idx_v.at[sl]], rows_v.at[sl], sem)
            )
        for c in copies:
            c.start()
        for c in copies:
            c.wait()

    pltpu.sync_copy(rows_v, out_hbm.at[pl.ds(base, ROWS_W)])


@jax.jit
def _gather(tab_flat, idx_flat):
    mesh = plsc.VectorSubcoreMesh(
        core_axis_name="c",
        subcore_axis_name="s",
        num_cores=NUM_CORES,
        num_subcores=NUM_SUBCORES,
    )
    return pl.kernel(
        _body,
        out_type=jax.ShapeDtypeStruct((ROWS, DIM), jnp.float32),
        mesh=mesh,
        scratch_types=[
            pltpu.VMEM((ROWS_W,), jnp.int32),
            pltpu.VMEM((ROWS_W, DIM), jnp.float32),
            pltpu.SemaphoreType.DMA,
        ],
        compiler_params=pltpu.CompilerParams(use_tc_tiling_on_sc=False),
    )(tab_flat, idx_flat)


def kernel(items, tables):
    tab_flat = tables.reshape(N_FIELDS * VOCAB, DIM)
    idx_flat = items.reshape(ROWS)
    out = _gather(tab_flat, idx_flat)
    return out.reshape(BATCH, N_FIELDS * DIM)

# --- scband reference (transcript-rebuilt; emitter-appended) ---
"""Pipeline reference for scband-item-9234179686815 (READ-ONLY COPY).

The authoritative reference and input builder live on the scoring server;
editing this copy changes nothing except your own understanding.
"""

import jax, jax.numpy as jnp
import numpy as np

N_FIELDS = 26
VOCAB = 100000
DIM = 32
BATCH = 4096


def setup_inputs(seed: int = 0) -> dict:
    key = jax.random.key(seed)
    k1, k2 = jax.random.split(key)
    items = jax.random.randint(k1, (BATCH, N_FIELDS), 0, VOCAB, dtype=jnp.int32)
    # one embedding table per categorical column, stacked: [n_fields, vocab, dim]
    tables = jax.random.normal(k2, (N_FIELDS, VOCAB, DIM), dtype=jnp.float32) * 0.02
    return {"items": items, "tables": tables}


def reference(items, tables):
    # Faithful translation of the torch module: per-column embedding lookup,
    # then concatenate along the feature dimension (dim=1).
    embs = []
    for i in range(N_FIELDS):
        emb = jnp.take(tables[i], items[:, i], axis=0)  # [batch, dim]
        embs.append(emb)
    items_emb = jnp.concatenate(embs, axis=1)  # [batch, n_fields*dim]
    return items_emb

if __name__ == "__main__":
    import jax
    _d = setup_inputs()
    print(jax.jit(kernel)(*tuple(_d.values())))

</pallas_src>

<mosaic_0001>
#map = affine_map<(d0, d1) -> (0, 0)>
#map1 = affine_map<(d0, d1) -> (0)>
module attributes {stable_mosaic.version = 14 : i64} {
  func.func @_body(%arg0: i32, %arg1: i32, %arg2: memref<2600000x32xf32, #tpu.memory_space<hbm>>, %arg3: memref<106496xi32, #tpu.memory_space<hbm>>, %arg4: memref<106496x32xf32, #tpu.memory_space<hbm>>, %arg5: memref<3328xi32, #tpu.memory_space<vmem>>, %arg6: memref<3328x32xf32, #tpu.memory_space<vmem>>, %arg7: memref<!tpu.dma_semaphore, #tpu.memory_space<semaphore_mem>>) attributes {dimension_semantics = [#tpu.dimension_semantics<core_parallel>, #tpu.dimension_semantics<subcore_parallel>], iteration_bounds = array<i64: 2, 16>, scalar_prefetch = 0 : i64, scratch_operands = 3 : i64, tpu.core_type = #tpu.core_type<sc_vector_subcore>, window_params = [{transform_indices = #map}, {transform_indices = #map1}, {transform_indices = #map}]} {
    %mul3A = arith.constant 2 : i32
    %mul3A_0 = arith.muli %arg1, %mul3A : i32
    %add3A = arith.addi %mul3A_0, %arg0 : i32
    %mul3A_1 = arith.constant 3328 : i32
    %mul3A_2 = arith.muli %add3A, %mul3A_1 : i32
    "tpu.region"() ({
      %run_scoped3A = tpu.sem_alloc : memref<!tpu.dma_semaphore, #tpu.memory_space<semaphore_mem>>
      %dma_start3A_421 = tpu.memref_slice %arg3[%mul3A_2] : memref<106496xi32, #tpu.memory_space<hbm>> -> memref<3328xi32, #tpu.memory_space<hbm>>
      %dma_start3A_422 = tpu.memref_slice %arg3[%mul3A_2] : memref<106496xi32, #tpu.memory_space<hbm>> -> memref<3328xi32, #tpu.memory_space<hbm>>
      tpu.enqueue_dma source(%dma_start3A_422 : memref<3328xi32, #tpu.memory_space<hbm>>) target(%arg5 : memref<3328xi32, #tpu.memory_space<vmem>>) target_semaphore(%run_scoped3A : memref<!tpu.dma_semaphore, #tpu.memory_space<semaphore_mem>>)
      %dma_wait3A_423 = tpu.memref_slice %arg3[%mul3A_2] : memref<106496xi32, #tpu.memory_space<hbm>> -> memref<3328xi32, #tpu.memory_space<hbm>>
      %dma_wait3A_424 = tpu.memref_slice %arg3[%mul3A_2] : memref<106496xi32, #tpu.memory_space<hbm>> -> memref<3328xi32, #tpu.memory_space<hbm>>
      tpu.wait_dma2 semaphore(%run_scoped3A : memref<!tpu.dma_semaphore, #tpu.memory_space<semaphore_mem>>) src(%dma_wait3A_424 : memref<3328xi32, #tpu.memory_space<hbm>>) dst(%arg5 : memref<3328xi32, #tpu.memory_space<vmem>>)
      tpu.yield
    }) : () -> ()
    %iota3A = tpu.iota {dimensions = array<i32: 0>} : vector<16xi32>
    %scan3A = arith.constant 0 : i32
    %scan3A_3 = arith.constant 208 : i32
    %scan3A_4 = arith.addi %scan3A, %scan3A_3 : i32
    %scan3A_5 = arith.constant 1 : i32
    scf.for %scan3A_421 = %scan3A to %scan3A_4 step %scan3A_5  : i32 {
      %mul3A_422 = arith.constant 16 : i32
      %mul3A_423 = arith.muli %scan3A_421, %mul3A_422 : i32
      %add3A_424 = vector.broadcast %mul3A_423 : i32 to vector<16xi32>
      %add3A_425 = arith.addi %iota3A, %add3A_424 : vector<16xi32>
      %rem3A = arith.constant 26 : i32
      %rem3A_426 = vector.broadcast %rem3A : i32 to vector<16xi32>
      %rem3A_427 = arith.remsi %add3A_425, %rem3A_426 : vector<16xi32>
      %mul3A_428 = arith.constant 16 : i32
      %mul3A_429 = arith.muli %scan3A_421, %mul3A_428 : i32
      %get3A = arith.index_cast %mul3A_429 : i32 to index
      %get3A_430 = tpu.vector_load %arg5[%get3A] {strides = array<i32>} : memref<3328xi32, #tpu.memory_space<vmem>>, vector<16xi32>,
      %get3A_431 = vector.shape_cast %get3A_430 : vector<16xi32> to vector<16xi32>
      %mul3A_432 = arith.constant 100000 : i32
      %mul3A_433 = vector.broadcast %mul3A_432 : i32 to vector<16xi32>
      %mul3A_434 = arith.muli %rem3A_427, %mul3A_433 : vector<16xi32>
      %add3A_435 = arith.addi %get3A_431, %mul3A_434 : vector<16xi32>
      %swap3A = arith.index_cast %mul3A_429 : i32 to index
      %swap3A_436 = tpu.vector_load %arg5[%swap3A] {strides = array<i32>} : memref<3328xi32, #tpu.memory_space<vmem>>, vector<16xi32>,
      %swap3A_437 = vector.shape_cast %swap3A_436 : vector<16xi32> to vector<16xi32>
      %swap3A_438 = vector.shape_cast %add3A_435 : vector<16xi32> to vector<16xi32>
      tpu.vector_store %arg5[%swap3A], %swap3A_438 {strides = array<i32>} : memref<3328xi32, #tpu.memory_space<vmem>>, vector<16xi32>,
    }
    %scan3A_6 = arith.constant 208 : i32
    %dma_start3A = arith.constant 0 : i32
    %dma_start3A_7 = arith.constant 0 : i32
    %dma_start3A_8 = tpu.memref_slice %arg6[%dma_start3A, %dma_start3A_7] : memref<3328x32xf32, #tpu.memory_space<vmem>> -> memref<128x32xf32, #tpu.memory_space<vmem>>
    %dma_start3A_9 = arith.constant 0 : i32
    %dma_start3A_10 = tpu.memref_slice %arg5[%dma_start3A_9] : memref<3328xi32, #tpu.memory_space<vmem>> -> memref<128xi32, #tpu.memory_space<vmem>>
    %dma_start3A_11 = arith.constant 0 : i32
    %dma_start3A_12 = arith.constant 0 : i32
    %dma_start3A_13 = tpu.memref_slice %arg2[%dma_start3A_11, %dma_start3A_12] : memref<2600000x32xf32, #tpu.memory_space<hbm>> -> memref<2600000x32xf32, #tpu.memory_space<hbm>>
    tpu.enqueue_indirect_dma source(%dma_start3A_13 : memref<2600000x32xf32, #tpu.memory_space<hbm>>) target(%dma_start3A_8 : memref<128x32xf32, #tpu.memory_space<vmem>>) offsets(%dma_start3A_10 : memref<128xi32, #tpu.memory_space<vmem>>) semaphore(%arg7 : memref<!tpu.dma_semaphore, #tpu.memory_space<semaphore_mem>>)
    %dma_start3A_14 = arith.constant 128 : i32
    %dma_start3A_15 = arith.constant 0 : i32
    %dma_start3A_16 = tpu.memref_slice %arg6[%dma_start3A_14, %dma_start3A_15] : memref<3328x32xf32, #tpu.memory_space<vmem>> -> memref<128x32xf32, #tpu.memory_space<vmem>>
    %dma_start3A_17 = arith.constant 128 : i32
    %dma_start3A_18 = tpu.memref_slice %arg5[%dma_start3A_17] : memref<3328xi32, #tpu.memory_space<vmem>> -> memref<128xi32, #tpu.memory_space<vmem>>
    %dma_start3A_19 = arith.constant 0 : i32
    %dma_start3A_20 = arith.constant 0 : i32
    %dma_start3A_21 = tpu.memref_slice %arg2[%dma_start3A_19, %dma_start3A_20] : memref<2600000x32xf32, #tpu.memory_space<hbm>> -> memref<2600000x32xf32, #tpu.memory_space<hbm>>
    tpu.enqueue_indirect_dma source(%dma_start3A_21 : memref<2600000x32xf32, #tpu.memory_space<hbm>>) target(%dma_start3A_16 : memref<128x32xf32, #tpu.memory_space<vmem>>) offsets(%dma_start3A_18 : memref<128xi32, #tpu.memory_space<vmem>>) semaphore(%arg7 : memref<!tpu.dma_semaphore, #tpu.memory_space<semaphore_mem>>)
    %dma_start3A_22 = arith.constant 256 : i32
    %dma_start3A_23 = arith.constant 0 : i32
    %dma_start3A_24 = tpu.memref_slice %arg6[%dma_start3A_22, %dma_start3A_23] : memref<3328x32xf32, #tpu.memory_space<vmem>> -> memref<128x32xf32, #tpu.memory_space<vmem>>
    %dma_start3A_25 = arith.constant 256 : i32
    %dma_start3A_26 = tpu.memref_slice %arg5[%dma_start3A_25] : memref<3328xi32, #tpu.memory_space<vmem>> -> memref<128xi32, #tpu.memory_space<vmem>>
    %dma_start3A_27 = arith.constant 0 : i32
    %dma_start3A_28 = arith.constant 0 : i32
    %dma_start3A_29 = tpu.memref_slice %arg2[%dma_start3A_27, %dma_start3A_28] : memref<2600000x32xf32, #tpu.memory_space<hbm>> -> memref<2600000x32xf32, #tpu.memory_space<hbm>>
    tpu.enqueue_indirect_dma source(%dma_start3A_29 : memref<2600000x32xf32, #tpu.memory_space<hbm>>) target(%dma_start3A_24 : memref<128x32xf32, #tpu.memory_space<vmem>>) offsets(%dma_start3A_26 : memref<128xi32, #tpu.memory_space<vmem>>) semaphore(%arg7 : memref<!tpu.dma_semaphore, #tpu.memory_space<semaphore_mem>>)
    %dma_start3A_30 = arith.constant 384 : i32
    %dma_start3A_31 = arith.constant 0 : i32
    %dma_start3A_32 = tpu.memref_slice %arg6[%dma_start3A_30, %dma_start3A_31] : memref<3328x32xf32, #tpu.memory_space<vmem>> -> memref<128x32xf32, #tpu.memory_space<vmem>>
    %dma_start3A_33 = arith.constant 384 : i32
    %dma_start3A_34 = tpu.memref_slice %arg5[%dma_start3A_33] : memref<3328xi32, #tpu.memory_space<vmem>> -> memref<128xi32, #tpu.memory_space<vmem>>
    %dma_start3A_35 = arith.constant 0 : i32
    %dma_start3A_36 = arith.constant 0 : i32
    %dma_start3A_37 = tpu.memref_slice %arg2[%dma_start3A_35, %dma_start3A_36] : memref<2600000x32xf32, #tpu.memory_space<hbm>> -> memref<2600000x32xf32, #tpu.memory_space<hbm>>
    tpu.enqueue_indirect_dma source(%dma_start3A_37 : memref<2600000x32xf32, #tpu.memory_space<hbm>>) target(%dma_start3A_32 : memref<128x32xf32, #tpu.memory_space<vmem>>) offsets(%dma_start3A_34 : memref<128xi32, #tpu.memory_space<vmem>>) semaphore(%arg7 : memref<!tpu.dma_semaphore, #tpu.memory_space<semaphore_mem>>)
    %dma_start3A_38 = arith.constant 512 : i32
    %dma_start3A_39 = arith.constant 0 : i32
    %dma_start3A_40 = tpu.memref_slice %arg6[%dma_start3A_38, %dma_start3A_39] : memref<3328x32xf32, #tpu.memory_space<vmem>> -> memref<128x32xf32, #tpu.memory_space<vmem>>
    %dma_start3A_41 = arith.constant 512 : i32
    %dma_start3A_42 = tpu.memref_slice %arg5[%dma_start3A_41] : memref<3328xi32, #tpu.memory_space<vmem>> -> memref<128xi32, #tpu.memory_space<vmem>>
    %dma_start3A_43 = arith.constant 0 : i32
    %dma_start3A_44 = arith.constant 0 : i32
    %dma_start3A_45 = tpu.memref_slice %arg2[%dma_start3A_43, %dma_start3A_44] : memref<2600000x32xf32, #tpu.memory_space<hbm>> -> memref<2600000x32xf32, #tpu.memory_space<hbm>>
    tpu.enqueue_indirect_dma source(%dma_start3A_45 : memref<2600000x32xf32, #tpu.memory_space<hbm>>) target(%dma_start3A_40 : memref<128x32xf32, #tpu.memory_space<vmem>>) offsets(%dma_start3A_42 : memref<128xi32, #tpu.memory_space<vmem>>) semaphore(%arg7 : memref<!tpu.dma_semaphore, #tpu.memory_space<semaphore_mem>>)
    %dma_start3A_46 = arith.constant 640 : i32
    %dma_start3A_47 = arith.constant 0 : i32
    %dma_start3A_48 = tpu.memref_slice %arg6[%dma_start3A_46, %dma_start3A_47] : memref<3328x32xf32, #tpu.memory_space<vmem>> -> memref<128x32xf32, #tpu.memory_space<vmem>>
    %dma_start3A_49 = arith.constant 640 : i32
    %dma_start3A_50 = tpu.memref_slice %arg5[%dma_start3A_49] : memref<3328xi32, #tpu.memory_space<vmem>> -> memref<128xi32, #tpu.memory_space<vmem>>
    %dma_start3A_51 = arith.constant 0 : i32
    %dma_start3A_52 = arith.constant 0 : i32
    %dma_start3A_53 = tpu.memref_slice %arg2[%dma_start3A_51, %dma_start3A_52] : memref<2600000x32xf32, #tpu.memory_space<hbm>> -> memref<2600000x32xf32, #tpu.memory_space<hbm>>
    tpu.enqueue_indirect_dma source(%dma_start3A_53 : memref<2600000x32xf32, #tpu.memory_space<hbm>>) target(%dma_start3A_48 : memref<128x32xf32, #tpu.memory_space<vmem>>) offsets(%dma_start3A_50 : memref<128xi32, #tpu.memory_space<vmem>>) semaphore(%arg7 : memref<!tpu.dma_semaphore, #tpu.memory_space<semaphore_mem>>)
    %dma_start3A_54 = arith.constant 768 : i32
    %dma_start3A_55 = arith.constant 0 : i32
    %dma_start3A_56 = tpu.memref_slice %arg6[%dma_start3A_54, %dma_start3A_55] : memref<3328x32xf32, #tpu.memory_space<vmem>> -> memref<128x32xf32, #tpu.memory_space<vmem>>
    %dma_start3A_57 = arith.constant 768 : i32
    %dma_start3A_58 = tpu.memref_slice %arg5[%dma_start3A_57] : memref<3328xi32, #tpu.memory_space<vmem>> -> memref<128xi32, #tpu.memory_space<vmem>>
    %dma_start3A_59 = arith.constant 0 : i32
    %dma_start3A_60 = arith.constant 0 : i32
    %dma_start3A_61 = tpu.memref_slice %arg2[%dma_start3A_59, %dma_start3A_60] : memref<2600000x32xf32, #tpu.memory_space<hbm>> -> memref<2600000x32xf32, #tpu.memory_space<hbm>>
    tpu.enqueue_indirect_dma source(%dma_start3A_61 : memref<2600000x32xf32, #tpu.memory_space<hbm>>) target(%dma_start3A_56 : memref<128x32xf32, #tpu.memory_space<vmem>>) offsets(%dma_start3A_58 : memref<128xi32, #tpu.memory_space<vmem>>) semaphore(%arg7 : memref<!tpu.dma_semaphore, #tpu.memory_space<semaphore_mem>>)
    %dma_start3A_62 = arith.constant 896 : i32
    %dma_start3A_63 = arith.constant 0 : i32
    %dma_start3A_64 = tpu.memref_slice %arg6[%dma_start3A_62, %dma_start3A_63] : memref<3328x32xf32, #tpu.memory_space<vmem>> -> memref<128x32xf32, #tpu.memory_space<vmem>>
    %dma_start3A_65 = arith.constant 896 : i32
    %dma_start3A_66 = tpu.memref_slice %arg5[%dma_start3A_65] : memref<3328xi32, #tpu.memory_space<vmem>> -> memref<128xi32, #tpu.memory_space<vmem>>
    %dma_start3A_67 = arith.constant 0 : i32
    %dma_start3A_68 = arith.constant 0 : i32
    %dma_start3A_69 = tpu.memref_slice %arg2[%dma_start3A_67, %dma_start3A_68] : memref<2600000x32xf32, #tpu.memory_space<hbm>> -> memref<2600000x32xf32, #tpu.memory_space<hbm>>
    tpu.enqueue_indirect_dma source(%dma_start3A_69 : memref<2600000x32xf32, #tpu.memory_space<hbm>>) target(%dma_start3A_64 : memref<128x32xf32, #tpu.memory_space<vmem>>) offsets(%dma_start3A_66 : memref<128xi32, #tpu.memory_space<vmem>>) semaphore(%arg7 : memref<!tpu.dma_semaphore, #tpu.memory_space<semaphore_mem>>)
    %dma_start3A_70 = arith.constant 1024 : i32
    %dma_start3A_71 = arith.constant 0 : i32
    %dma_start3A_72 = tpu.memref_slice %arg6[%dma_start3A_70, %dma_start3A_71] : memref<3328x32xf32, #tpu.memory_space<vmem>> -> memref<128x32xf32, #tpu.memory_space<vmem>>
    %dma_start3A_73 = arith.constant 1024 : i32
    %dma_start3A_74 = tpu.memref_slice %arg5[%dma_start3A_73] : memref<3328xi32, #tpu.memory_space<vmem>> -> memref<128xi32, #tpu.memory_space<vmem>>
    %dma_start3A_75 = arith.constant 0 : i32
    %dma_start3A_76 = arith.constant 0 : i32
    %dma_start3A_77 = tpu.memref_slice %arg2[%dma_start3A_75, %dma_start3A_76] : memref<2600000x32xf32, #tpu.memory_space<hbm>> -> memref<2600000x32xf32, #tpu.memory_space<hbm>>
    tpu.enqueue_indirect_dma source(%dma_start3A_77 : memref<2600000x32xf32, #tpu.memory_space<hbm>>) target(%dma_start3A_72 : memref<128x32xf32, #tpu.memory_space<vmem>>) offsets(%dma_start3A_74 : memref<128xi32, #tpu.memory_space<vmem>>) semaphore(%arg7 : memref<!tpu.dma_semaphore, #tpu.memory_space<semaphore_mem>>)
    %dma_start3A_78 = arith.constant 1152 : i32
    %dma_start3A_79 = arith.constant 0 : i32
    %dma_start3A_80 = tpu.memref_slice %arg6[%dma_start3A_78, %dma_start3A_79] : memref<3328x32xf32, #tpu.memory_space<vmem>> -> memref<128x32xf32, #tpu.memory_space<vmem>>
    %dma_start3A_81 = arith.constant 1152 : i32
    %dma_start3A_82 = tpu.memref_slice %arg5[%dma_start3A_81] : memref<3328xi32, #tpu.memory_space<vmem>> -> memref<128xi32, #tpu.memory_space<vmem>>
    %dma_start3A_83 = arith.constant 0 : i32
    %dma_start3A_84 = arith.constant 0 : i32
    %dma_start3A_85 = tpu.memref_slice %arg2[%dma_start3A_83, %dma_start3A_84] : memref<2600000x32xf32, #tpu.memory_space<hbm>> -> memref<2600000x32xf32, #tpu.memory_space<hbm>>
    tpu.enqueue_indirect_dma source(%dma_start3A_85 : memref<2600000x32xf32, #tpu.memory_space<hbm>>) target(%dma_start3A_80 : memref<128x32xf32, #tpu.memory_space<vmem>>) offsets(%dma_start3A_82 : memref<128xi32, #tpu.memory_space<vmem>>) semaphore(%arg7 : memref<!tpu.dma_semaphore, #tpu.memory_space<semaphore_mem>>)
    %dma_start3A_86 = arith.constant 1280 : i32
    %dma_start3A_87 = arith.constant 0 : i32
    %dma_start3A_88 = tpu.memref_slice %arg6[%dma_start3A_86, %dma_start3A_87] : memref<3328x32xf32, #tpu.memory_space<vmem>> -> memref<128x32xf32, #tpu.memory_space<vmem>>
    %dma_start3A_89 = arith.constant 1280 : i32
    %dma_start3A_90 = tpu.memref_slice %arg5[%dma_start3A_89] : memref<3328xi32, #tpu.memory_space<vmem>> -> memref<128xi32, #tpu.memory_space<vmem>>
    %dma_start3A_91 = arith.constant 0 : i32
    %dma_start3A_92 = arith.constant 0 : i32
    %dma_start3A_93 = tpu.memref_slice %arg2[%dma_start3A_91, %dma_start3A_92] : memref<2600000x32xf32, #tpu.memory_space<hbm>> -> memref<2600000x32xf32, #tpu.memory_space<hbm>>
    tpu.enqueue_indirect_dma source(%dma_start3A_93 : memref<2600000x32xf32, #tpu.memory_space<hbm>>) target(%dma_start3A_88 : memref<128x32xf32, #tpu.memory_space<vmem>>) offsets(%dma_start3A_90 : memref<128xi32, #tpu.memory_space<vmem>>) semaphore(%arg7 : memref<!tpu.dma_semaphore, #tpu.memory_space<semaphore_mem>>)
    %dma_start3A_94 = arith.constant 1408 : i32
    %dma_start3A_95 = arith.constant 0 : i32
    %dma_start3A_96 = tpu.memref_slice %arg6[%dma_start3A_94, %dma_start3A_95] : memref<3328x32xf32, #tpu.memory_space<vmem>> -> memref<128x32xf32, #tpu.memory_space<vmem>>
    %dma_start3A_97 = arith.constant 1408 : i32
    %dma_start3A_98 = tpu.memref_slice %arg5[%dma_start3A_97] : memref<3328xi32, #tpu.memory_space<vmem>> -> memref<128xi32, #tpu.memory_space<vmem>>
    %dma_start3A_99 = arith.constant 0 : i32
    %dma_start3A_100 = arith.constant 0 : i32
    %dma_start3A_101 = tpu.memref_slice %arg2[%dma_start3A_99, %dma_start3A_100] : memref<2600000x32xf32, #tpu.memory_space<hbm>> -> memref<2600000x32xf32, #tpu.memory_space<hbm>>
    tpu.enqueue_indirect_dma source(%dma_start3A_101 : memref<2600000x32xf32, #tpu.memory_space<hbm>>) target(%dma_start3A_96 : memref<128x32xf32, #tpu.memory_space<vmem>>) offsets(%dma_start3A_98 : memref<128xi32, #tpu.memory_space<vmem>>) semaphore(%arg7 : memref<!tpu.dma_semaphore, #tpu.memory_space<semaphore_mem>>)
    %dma_start3A_102 = arith.constant 1536 : i32
    %dma_start3A_103 = arith.constant 0 : i32
    %dma_start3A_104 = tpu.memref_slice %arg6[%dma_start3A_102, %dma_start3A_103] : memref<3328x32xf32, #tpu.memory_space<vmem>> -> memref<128x32xf32, #tpu.memory_space<vmem>>
    %dma_start3A_105 = arith.constant 1536 : i32
    %dma_start3A_106 = tpu.memref_slice %arg5[%dma_start3A_105] : memref<3328xi32, #tpu.memory_space<vmem>> -> memref<128xi32, #tpu.memory_space<vmem>>
    %dma_start3A_107 = arith.constant 0 : i32
    %dma_start3A_108 = arith.constant 0 : i32
    %dma_start3A_109 = tpu.memref_slice %arg2[%dma_start3A_107, %dma_start3A_108] : memref<2600000x32xf32, #tpu.memory_space<hbm>> -> memref<2600000x32xf32, #tpu.memory_space<hbm>>
    tpu.enqueue_indirect_dma source(%dma_start3A_109 : memref<2600000x32xf32, #tpu.memory_space<hbm>>) target(%dma_start3A_104 : memref<128x32xf32, #tpu.memory_space<vmem>>) offsets(%dma_start3A_106 : memref<128xi32, #tpu.memory_space<vmem>>) semaphore(%arg7 : memref<!tpu.dma_semaphore, #tpu.memory_space<semaphore_mem>>)
    %dma_wait3A = arith.constant 0 : i32
    %dma_wait3A_110 = arith.constant 0 : i32
    %dma_wait3A_111 = tpu.memref_slice %arg6[%dma_wait3A, %dma_wait3A_110] : memref<3328x32xf32, #tpu.memory_space<vmem>> -> memref<128x32xf32, #tpu.memory_space<vmem>>
    %dma_wait3A_112 = arith.constant 0 : i32
    %dma_wait3A_113 = tpu.memref_slice %arg5[%dma_wait3A_112] : memref<3328xi32, #tpu.memory_space<vmem>> -> memref<128xi32, #tpu.memory_space<vmem>>
    %dma_wait3A_114 = arith.constant 0 : i32
    %dma_wait3A_115 = arith.constant 0 : i32
    %dma_wait3A_116 = tpu.memref_slice %arg2[%dma_wait3A_114, %dma_wait3A_115] : memref<2600000x32xf32, #tpu.memory_space<hbm>> -> memref<2600000x32xf32, #tpu.memory_space<hbm>>
    tpu.wait_indirect_dma semaphore(%arg7 : memref<!tpu.dma_semaphore, #tpu.memory_space<semaphore_mem>>) src(%dma_wait3A_116 : memref<2600000x32xf32, #tpu.memory_space<hbm>>) dst(%dma_wait3A_111 : memref<128x32xf32, #tpu.memory_space<vmem>>)
    %dma_wait3A_117 = arith.constant 128 : i32
    %dma_wait3A_118 = arith.constant 0 : i32
    %dma_wait3A_119 = tpu.memref_slice %arg6[%dma_wait3A_117, %dma_wait3A_118] : memref<3328x32xf32, #tpu.memory_space<vmem>> -> memref<128x32xf32, #tpu.memory_space<vmem>>
    %dma_wait3A_120 = arith.constant 128 : i32
    %dma_wait3A_121 = tpu.memref_slice %arg5[%dma_wait3A_120] : memref<3328xi32, #tpu.memory_space<vmem>> -> memref<128xi32, #tpu.memory_space<vmem>>
    %dma_wait3A_122 = arith.constant 0 : i32
    %dma_wait3A_123 = arith.constant 0 : i32
    %dma_wait3A_124 = tpu.memref_slice %arg2[%dma_wait3A_122, %dma_wait3A_123] : memref<2600000x32xf32, #tpu.memory_space<hbm>> -> memref<2600000x32xf32, #tpu.memory_space<hbm>>
    tpu.wait_indirect_dma semaphore(%arg7 : memref<!tpu.dma_semaphore, #tpu.memory_space<semaphore_mem>>) src(%dma_wait3A_124 : memref<2600000x32xf32, #tpu.memory_space<hbm>>) dst(%dma_wait3A_119 : memref<128x32xf32, #tpu.memory_space<vmem>>)
    %dma_wait3A_125 = arith.constant 256 : i32
    %dma_wait3A_126 = arith.constant 0 : i32
    %dma_wait3A_127 = tpu.memref_slice %arg6[%dma_wait3A_125, %dma_wait3A_126] : memref<3328x32xf32, #tpu.memory_space<vmem>> -> memref<128x32xf32, #tpu.memory_space<vmem>>
    %dma_wait3A_128 = arith.constant 256 : i32
    %dma_wait3A_129 = tpu.memref_slice %arg5[%dma_wait3A_128] : memref<3328xi32, #tpu.memory_space<vmem>> -> memref<128xi32, #tpu.memory_space<vmem>>
    %dma_wait3A_130 = arith.constant 0 : i32
    %dma_wait3A_131 = arith.constant 0 : i32
    %dma_wait3A_132 = tpu.memref_slice %arg2[%dma_wait3A_130, %dma_wait3A_131] : memref<2600000x32xf32, #tpu.memory_space<hbm>> -> memref<2600000x32xf32, #tpu.memory_space<hbm>>
    tpu.wait_indirect_dma semaphore(%arg7 : memref<!tpu.dma_semaphore, #tpu.memory_space<semaphore_mem>>) src(%dma_wait3A_132 : memref<2600000x32xf32, #tpu.memory_space<hbm>>) dst(%dma_wait3A_127 : memref<128x32xf32, #tpu.memory_space<vmem>>)
    %dma_wait3A_133 = arith.constant 384 : i32
    %dma_wait3A_134 = arith.constant 0 : i32
    %dma_wait3A_135 = tpu.memref_slice %arg6[%dma_wait3A_133, %dma_wait3A_134] : memref<3328x32xf32, #tpu.memory_space<vmem>> -> memref<128x32xf32, #tpu.memory_space<vmem>>
    %dma_wait3A_136 = arith.constant 384 : i32
    %dma_wait3A_137 = tpu.memref_slice %arg5[%dma_wait3A_136] : memref<3328xi32, #tpu.memory_space<vmem>> -> memref<128xi32, #tpu.memory_space<vmem>>
    %dma_wait3A_138 = arith.constant 0 : i32
    %dma_wait3A_139 = arith.constant 0 : i32
    %dma_wait3A_140 = tpu.memref_slice %arg2[%dma_wait3A_138, %dma_wait3A_139] : memref<2600000x32xf32, #tpu.memory_space<hbm>> -> memref<2600000x32xf32, #tpu.memory_space<hbm>>
    tpu.wait_indirect_dma semaphore(%arg7 : memref<!tpu.dma_semaphore, #tpu.memory_space<semaphore_mem>>) src(%dma_wait3A_140 : memref<2600000x32xf32, #tpu.memory_space<hbm>>) dst(%dma_wait3A_135 : memref<128x32xf32, #tpu.memory_space<vmem>>)
    %dma_wait3A_141 = arith.constant 512 : i32
    %dma_wait3A_142 = arith.constant 0 : i32
    %dma_wait3A_143 = tpu.memref_slice %arg6[%dma_wait3A_141, %dma_wait3A_142] : memref<3328x32xf32, #tpu.memory_space<vmem>> -> memref<128x32xf32, #tpu.memory_space<vmem>>
    %dma_wait3A_144 = arith.constant 512 : i32
    %dma_wait3A_145 = tpu.memref_slice %arg5[%dma_wait3A_144] : memref<3328xi32, #tpu.memory_space<vmem>> -> memref<128xi32, #tpu.memory_space<vmem>>
    %dma_wait3A_146 = arith.constant 0 : i32
    %dma_wait3A_147 = arith.constant 0 : i32
    %dma_wait3A_148 = tpu.memref_slice %arg2[%dma_wait3A_146, %dma_wait3A_147] : memref<2600000x32xf32, #tpu.memory_space<hbm>> -> memref<2600000x32xf32, #tpu.memory_space<hbm>>
    tpu.wait_indirect_dma semaphore(%arg7 : memref<!tpu.dma_semaphore, #tpu.memory_space<semaphore_mem>>) src(%dma_wait3A_148 : memref<2600000x32xf32, #tpu.memory_space<hbm>>) dst(%dma_wait3A_143 : memref<128x32xf32, #tpu.memory_space<vmem>>)
    %dma_wait3A_149 = arith.constant 640 : i32
    %dma_wait3A_150 = arith.constant 0 : i32
    %dma_wait3A_151 = tpu.memref_slice %arg6[%dma_wait3A_149, %dma_wait3A_150] : memref<3328x32xf32, #tpu.memory_space<vmem>> -> memref<128x32xf32, #tpu.memory_space<vmem>>
    %dma_wait3A_152 = arith.constant 640 : i32
    %dma_wait3A_153 = tpu.memref_slice %arg5[%dma_wait3A_152] : memref<3328xi32, #tpu.memory_space<vmem>> -> memref<128xi32, #tpu.memory_space<vmem>>
    %dma_wait3A_154 = arith.constant 0 : i32
    %dma_wait3A_155 = arith.constant 0 : i32
    %dma_wait3A_156 = tpu.memref_slice %arg2[%dma_wait3A_154, %dma_wait3A_155] : memref<2600000x32xf32, #tpu.memory_space<hbm>> -> memref<2600000x32xf32, #tpu.memory_space<hbm>>
    tpu.wait_indirect_dma semaphore(%arg7 : memref<!tpu.dma_semaphore, #tpu.memory_space<semaphore_mem>>) src(%dma_wait3A_156 : memref<2600000x32xf32, #tpu.memory_space<hbm>>) dst(%dma_wait3A_151 : memref<128x32xf32, #tpu.memory_space<vmem>>)
    %dma_wait3A_157 = arith.constant 768 : i32
    %dma_wait3A_158 = arith.constant 0 : i32
    %dma_wait3A_159 = tpu.memref_slice %arg6[%dma_wait3A_157, %dma_wait3A_158] : memref<3328x32xf32, #tpu.memory_space<vmem>> -> memref<128x32xf32, #tpu.memory_space<vmem>>
    %dma_wait3A_160 = arith.constant 768 : i32
    %dma_wait3A_161 = tpu.memref_slice %arg5[%dma_wait3A_160] : memref<3328xi32, #tpu.memory_space<vmem>> -> memref<128xi32, #tpu.memory_space<vmem>>
    %dma_wait3A_162 = arith.constant 0 : i32
    %dma_wait3A_163 = arith.constant 0 : i32
    %dma_wait3A_164 = tpu.memref_slice %arg2[%dma_wait3A_162, %dma_wait3A_163] : memref<2600000x32xf32, #tpu.memory_space<hbm>> -> memref<2600000x32xf32, #tpu.memory_space<hbm>>
    tpu.wait_indirect_dma semaphore(%arg7 : memref<!tpu.dma_semaphore, #tpu.memory_space<semaphore_mem>>) src(%dma_wait3A_164 : memref<2600000x32xf32, #tpu.memory_space<hbm>>) dst(%dma_wait3A_159 : memref<128x32xf32, #tpu.memory_space<vmem>>)
    %dma_wait3A_165 = arith.constant 896 : i32
    %dma_wait3A_166 = arith.constant 0 : i32
    %dma_wait3A_167 = tpu.memref_slice %arg6[%dma_wait3A_165, %dma_wait3A_166] : memref<3328x32xf32, #tpu.memory_space<vmem>> -> memref<128x32xf32, #tpu.memory_space<vmem>>
    %dma_wait3A_168 = arith.constant 896 : i32
    %dma_wait3A_169 = tpu.memref_slice %arg5[%dma_wait3A_168] : memref<3328xi32, #tpu.memory_space<vmem>> -> memref<128xi32, #tpu.memory_space<vmem>>
    %dma_wait3A_170 = arith.constant 0 : i32
    %dma_wait3A_171 = arith.constant 0 : i32
    %dma_wait3A_172 = tpu.memref_slice %arg2[%dma_wait3A_170, %dma_wait3A_171] : memref<2600000x32xf32, #tpu.memory_space<hbm>> -> memref<2600000x32xf32, #tpu.memory_space<hbm>>
    tpu.wait_indirect_dma semaphore(%arg7 : memref<!tpu.dma_semaphore, #tpu.memory_space<semaphore_mem>>) src(%dma_wait3A_172 : memref<2600000x32xf32, #tpu.memory_space<hbm>>) dst(%dma_wait3A_167 : memref<128x32xf32, #tpu.memory_space<vmem>>)
    %dma_wait3A_173 = arith.constant 1024 : i32
    %dma_wait3A_174 = arith.constant 0 : i32
    %dma_wait3A_175 = tpu.memref_slice %arg6[%dma_wait3A_173, %dma_wait3A_174] : memref<3328x32xf32, #tpu.memory_space<vmem>> -> memref<128x32xf32, #tpu.memory_space<vmem>>
    %dma_wait3A_176 = arith.constant 1024 : i32
    %dma_wait3A_177 = tpu.memref_slice %arg5[%dma_wait3A_176] : memref<3328xi32, #tpu.memory_space<vmem>> -> memref<128xi32, #tpu.memory_space<vmem>>
    %dma_wait3A_178 = arith.constant 0 : i32
    %dma_wait3A_179 = arith.constant 0 : i32
    %dma_wait3A_180 = tpu.memref_slice %arg2[%dma_wait3A_178, %dma_wait3A_179] : memref<2600000x32xf32, #tpu.memory_space<hbm>> -> memref<2600000x32xf32, #tpu.memory_space<hbm>>
    tpu.wait_indirect_dma semaphore(%arg7 : memref<!tpu.dma_semaphore, #tpu.memory_space<semaphore_mem>>) src(%dma_wait3A_180 : memref<2600000x32xf32, #tpu.memory_space<hbm>>) dst(%dma_wait3A_175 : memref<128x32xf32, #tpu.memory_space<vmem>>)
    %dma_wait3A_181 = arith.constant 1152 : i32
    %dma_wait3A_182 = arith.constant 0 : i32
    %dma_wait3A_183 = tpu.memref_slice %arg6[%dma_wait3A_181, %dma_wait3A_182] : memref<3328x32xf32, #tpu.memory_space<vmem>> -> memref<128x32xf32, #tpu.memory_space<vmem>>
    %dma_wait3A_184 = arith.constant 1152 : i32
    %dma_wait3A_185 = tpu.memref_slice %arg5[%dma_wait3A_184] : memref<3328xi32, #tpu.memory_space<vmem>> -> memref<128xi32, #tpu.memory_space<vmem>>
    %dma_wait3A_186 = arith.constant 0 : i32
    %dma_wait3A_187 = arith.constant 0 : i32
    %dma_wait3A_188 = tpu.memref_slice %arg2[%dma_wait3A_186, %dma_wait3A_187] : memref<2600000x32xf32, #tpu.memory_space<hbm>> -> memref<2600000x32xf32, #tpu.memory_space<hbm>>
    tpu.wait_indirect_dma semaphore(%arg7 : memref<!tpu.dma_semaphore, #tpu.memory_space<semaphore_mem>>) src(%dma_wait3A_188 : memref<2600000x32xf32, #tpu.memory_space<hbm>>) dst(%dma_wait3A_183 : memref<128x32xf32, #tpu.memory_space<vmem>>)
    %dma_wait3A_189 = arith.constant 1280 : i32
    %dma_wait3A_190 = arith.constant 0 : i32
    %dma_wait3A_191 = tpu.memref_slice %arg6[%dma_wait3A_189, %dma_wait3A_190] : memref<3328x32xf32, #tpu.memory_space<vmem>> -> memref<128x32xf32, #tpu.memory_space<vmem>>
    %dma_wait3A_192 = arith.constant 1280 : i32
    %dma_wait3A_193 = tpu.memref_slice %arg5[%dma_wait3A_192] : memref<3328xi32, #tpu.memory_space<vmem>> -> memref<128xi32, #tpu.memory_space<vmem>>
    %dma_wait3A_194 = arith.constant 0 : i32
    %dma_wait3A_195 = arith.constant 0 : i32
    %dma_wait3A_196 = tpu.memref_slice %arg2[%dma_wait3A_194, %dma_wait3A_195] : memref<2600000x32xf32, #tpu.memory_space<hbm>> -> memref<2600000x32xf32, #tpu.memory_space<hbm>>
    tpu.wait_indirect_dma semaphore(%arg7 : memref<!tpu.dma_semaphore, #tpu.memory_space<semaphore_mem>>) src(%dma_wait3A_196 : memref<2600000x32xf32, #tpu.memory_space<hbm>>) dst(%dma_wait3A_191 : memref<128x32xf32, #tpu.memory_space<vmem>>)
    %dma_wait3A_197 = arith.constant 1408 : i32
    %dma_wait3A_198 = arith.constant 0 : i32
    %dma_wait3A_199 = tpu.memref_slice %arg6[%dma_wait3A_197, %dma_wait3A_198] : memref<3328x32xf32, #tpu.memory_space<vmem>> -> memref<128x32xf32, #tpu.memory_space<vmem>>
    %dma_wait3A_200 = arith.constant 1408 : i32
    %dma_wait3A_201 = tpu.memref_slice %arg5[%dma_wait3A_200] : memref<3328xi32, #tpu.memory_space<vmem>> -> memref<128xi32, #tpu.memory_space<vmem>>
    %dma_wait3A_202 = arith.constant 0 : i32
    %dma_wait3A_203 = arith.constant 0 : i32
    %dma_wait3A_204 = tpu.memref_slice %arg2[%dma_wait3A_202, %dma_wait3A_203] : memref<2600000x32xf32, #tpu.memory_space<hbm>> -> memref<2600000x32xf32, #tpu.memory_space<hbm>>
    tpu.wait_indirect_dma semaphore(%arg7 : memref<!tpu.dma_semaphore, #tpu.memory_space<semaphore_mem>>) src(%dma_wait3A_204 : memref<2600000x32xf32, #tpu.memory_space<hbm>>) dst(%dma_wait3A_199 : memref<128x32xf32, #tpu.memory_space<vmem>>)
    %dma_wait3A_205 = arith.constant 1536 : i32
    %dma_wait3A_206 = arith.constant 0 : i32
    %dma_wait3A_207 = tpu.memref_slice %arg6[%dma_wait3A_205, %dma_wait3A_206] : memref<3328x32xf32, #tpu.memory_space<vmem>> -> memref<128x32xf32, #tpu.memory_space<vmem>>
    %dma_wait3A_208 = arith.constant 1536 : i32
    %dma_wait3A_209 = tpu.memref_slice %arg5[%dma_wait3A_208] : memref<3328xi32, #tpu.memory_space<vmem>> -> memref<128xi32, #tpu.memory_space<vmem>>
    %dma_wait3A_210 = arith.constant 0 : i32
    %dma_wait3A_211 = arith.constant 0 : i32
    %dma_wait3A_212 = tpu.memref_slice %arg2[%dma_wait3A_210, %dma_wait3A_211] : memref<2600000x32xf32, #tpu.memory_space<hbm>> -> memref<2600000x32xf32, #tpu.memory_space<hbm>>
    tpu.wait_indirect_dma semaphore(%arg7 : memref<!tpu.dma_semaphore, #tpu.memory_space<semaphore_mem>>) src(%dma_wait3A_212 : memref<2600000x32xf32, #tpu.memory_space<hbm>>) dst(%dma_wait3A_207 : memref<128x32xf32, #tpu.memory_space<vmem>>)
    %dma_start3A_213 = arith.constant 1664 : i32
    %dma_start3A_214 = arith.constant 0 : i32
    %dma_start3A_215 = tpu.memref_slice %arg6[%dma_start3A_213, %dma_start3A_214] : memref<3328x32xf32, #tpu.memory_space<vmem>> -> memref<128x32xf32, #tpu.memory_space<vmem>>
    %dma_start3A_216 = arith.constant 1664 : i32
    %dma_start3A_217 = tpu.memref_slice %arg5[%dma_start3A_216] : memref<3328xi32, #tpu.memory_space<vmem>> -> memref<128xi32, #tpu.memory_space<vmem>>
    %dma_start3A_218 = arith.constant 0 : i32
    %dma_start3A_219 = arith.constant 0 : i32
    %dma_start3A_220 = tpu.memref_slice %arg2[%dma_start3A_218, %dma_start3A_219] : memref<2600000x32xf32, #tpu.memory_space<hbm>> -> memref<2600000x32xf32, #tpu.memory_space<hbm>>
    tpu.enqueue_indirect_dma source(%dma_start3A_220 : memref<2600000x32xf32, #tpu.memory_space<hbm>>) target(%dma_start3A_215 : memref<128x32xf32, #tpu.memory_space<vmem>>) offsets(%dma_start3A_217 : memref<128xi32, #tpu.memory_space<vmem>>) semaphore(%arg7 : memref<!tpu.dma_semaphore, #tpu.memory_space<semaphore_mem>>)
    %dma_start3A_221 = arith.constant 1792 : i32
    %dma_start3A_222 = arith.constant 0 : i32
    %dma_start3A_223 = tpu.memref_slice %arg6[%dma_start3A_221, %dma_start3A_222] : memref<3328x32xf32, #tpu.memory_space<vmem>> -> memref<128x32xf32, #tpu.memory_space<vmem>>
    %dma_start3A_224 = arith.constant 1792 : i32
    %dma_start3A_225 = tpu.memref_slice %arg5[%dma_start3A_224] : memref<3328xi32, #tpu.memory_space<vmem>> -> memref<128xi32, #tpu.memory_space<vmem>>
    %dma_start3A_226 = arith.constant 0 : i32
    %dma_start3A_227 = arith.constant 0 : i32
    %dma_start3A_228 = tpu.memref_slice %arg2[%dma_start3A_226, %dma_start3A_227] : memref<2600000x32xf32, #tpu.memory_space<hbm>> -> memref<2600000x32xf32, #tpu.memory_space<hbm>>
    tpu.enqueue_indirect_dma source(%dma_start3A_228 : memref<2600000x32xf32, #tpu.memory_space<hbm>>) target(%dma_start3A_223 : memref<128x32xf32, #tpu.memory_space<vmem>>) offsets(%dma_start3A_225 : memref<128xi32, #tpu.memory_space<vmem>>) semaphore(%arg7 : memref<!tpu.dma_semaphore, #tpu.memory_space<semaphore_mem>>)
    %dma_start3A_229 = arith.constant 1920 : i32
    %dma_start3A_230 = arith.constant 0 : i32
    %dma_start3A_231 = tpu.memref_slice %arg6[%dma_start3A_229, %dma_start3A_230] : memref<3328x32xf32, #tpu.memory_space<vmem>> -> memref<128x32xf32, #tpu.memory_space<vmem>>
    %dma_start3A_232 = arith.constant 1920 : i32
    %dma_start3A_233 = tpu.memref_slice %arg5[%dma_start3A_232] : memref<3328xi32, #tpu.memory_space<vmem>> -> memref<128xi32, #tpu.memory_space<vmem>>
    %dma_start3A_234 = arith.constant 0 : i32
    %dma_start3A_235 = arith.constant 0 : i32
    %dma_start3A_236 = tpu.memref_slice %arg2[%dma_start3A_234, %dma_start3A_235] : memref<2600000x32xf32, #tpu.memory_space<hbm>> -> memref<2600000x32xf32, #tpu.memory_space<hbm>>
    tpu.enqueue_indirect_dma source(%dma_start3A_236 : memref<2600000x32xf32, #tpu.memory_space<hbm>>) target(%dma_start3A_231 : memref<128x32xf32, #tpu.memory_space<vmem>>) offsets(%dma_start3A_233 : memref<128xi32, #tpu.memory_space<vmem>>) semaphore(%arg7 : memref<!tpu.dma_semaphore, #tpu.memory_space<semaphore_mem>>)
    %dma_start3A_237 = arith.constant 2048 : i32
    %dma_start3A_238 = arith.constant 0 : i32
    %dma_start3A_239 = tpu.memref_slice %arg6[%dma_start3A_237, %dma_start3A_238] : memref<3328x32xf32, #tpu.memory_space<vmem>> -> memref<128x32xf32, #tpu.memory_space<vmem>>
    %dma_start3A_240 = arith.constant 2048 : i32
    %dma_start3A_241 = tpu.memref_slice %arg5[%dma_start3A_240] : memref<3328xi32, #tpu.memory_space<vmem>> -> memref<128xi32, #tpu.memory_space<vmem>>
    %dma_start3A_242 = arith.constant 0 : i32
    %dma_start3A_243 = arith.constant 0 : i32
    %dma_start3A_244 = tpu.memref_slice %arg2[%dma_start3A_242, %dma_start3A_243] : memref<2600000x32xf32, #tpu.memory_space<hbm>> -> memref<2600000x32xf32, #tpu.memory_space<hbm>>
    tpu.enqueue_indirect_dma source(%dma_start3A_244 : memref<2600000x32xf32, #tpu.memory_space<hbm>>) target(%dma_start3A_239 : memref<128x32xf32, #tpu.memory_space<vmem>>) offsets(%dma_start3A_241 : memref<128xi32, #tpu.memory_space<vmem>>) semaphore(%arg7 : memref<!tpu.dma_semaphore, #tpu.memory_space<semaphore_mem>>)
    %dma_start3A_245 = arith.constant 2176 : i32
    %dma_start3A_246 = arith.constant 0 : i32
    %dma_start3A_247 = tpu.memref_slice %arg6[%dma_start3A_245, %dma_start3A_246] : memref<3328x32xf32, #tpu.memory_space<vmem>> -> memref<128x32xf32, #tpu.memory_space<vmem>>
    %dma_start3A_248 = arith.constant 2176 : i32
    %dma_start3A_249 = tpu.memref_slice %arg5[%dma_start3A_248] : memref<3328xi32, #tpu.memory_space<vmem>> -> memref<128xi32, #tpu.memory_space<vmem>>
    %dma_start3A_250 = arith.constant 0 : i32
    %dma_start3A_251 = arith.constant 0 : i32
    %dma_start3A_252 = tpu.memref_slice %arg2[%dma_start3A_250, %dma_start3A_251] : memref<2600000x32xf32, #tpu.memory_space<hbm>> -> memref<2600000x32xf32, #tpu.memory_space<hbm>>
    tpu.enqueue_indirect_dma source(%dma_start3A_252 : memref<2600000x32xf32, #tpu.memory_space<hbm>>) target(%dma_start3A_247 : memref<128x32xf32, #tpu.memory_space<vmem>>) offsets(%dma_start3A_249 : memref<128xi32, #tpu.memory_space<vmem>>) semaphore(%arg7 : memref<!tpu.dma_semaphore, #tpu.memory_space<semaphore_mem>>)
    %dma_start3A_253 = arith.constant 2304 : i32
    %dma_start3A_254 = arith.constant 0 : i32
    %dma_start3A_255 = tpu.memref_slice %arg6[%dma_start3A_253, %dma_start3A_254] : memref<3328x32xf32, #tpu.memory_space<vmem>> -> memref<128x32xf32, #tpu.memory_space<vmem>>
    %dma_start3A_256 = arith.constant 2304 : i32
    %dma_start3A_257 = tpu.memref_slice %arg5[%dma_start3A_256] : memref<3328xi32, #tpu.memory_space<vmem>> -> memref<128xi32, #tpu.memory_space<vmem>>
    %dma_start3A_258 = arith.constant 0 : i32
    %dma_start3A_259 = arith.constant 0 : i32
    %dma_start3A_260 = tpu.memref_slice %arg2[%dma_start3A_258, %dma_start3A_259] : memref<2600000x32xf32, #tpu.memory_space<hbm>> -> memref<2600000x32xf32, #tpu.memory_space<hbm>>
    tpu.enqueue_indirect_dma source(%dma_start3A_260 : memref<2600000x32xf32, #tpu.memory_space<hbm>>) target(%dma_start3A_255 : memref<128x32xf32, #tpu.memory_space<vmem>>) offsets(%dma_start3A_257 : memref<128xi32, #tpu.memory_space<vmem>>) semaphore(%arg7 : memref<!tpu.dma_semaphore, #tpu.memory_space<semaphore_mem>>)
    %dma_start3A_261 = arith.constant 2432 : i32
    %dma_start3A_262 = arith.constant 0 : i32
    %dma_start3A_263 = tpu.memref_slice %arg6[%dma_start3A_261, %dma_start3A_262] : memref<3328x32xf32, #tpu.memory_space<vmem>> -> memref<128x32xf32, #tpu.memory_space<vmem>>
    %dma_start3A_264 = arith.constant 2432 : i32
    %dma_start3A_265 = tpu.memref_slice %arg5[%dma_start3A_264] : memref<3328xi32, #tpu.memory_space<vmem>> -> memref<128xi32, #tpu.memory_space<vmem>>
    %dma_start3A_266 = arith.constant 0 : i32
    %dma_start3A_267 = arith.constant 0 : i32
    %dma_start3A_268 = tpu.memref_slice %arg2[%dma_start3A_266, %dma_start3A_267] : memref<2600000x32xf32, #tpu.memory_space<hbm>> -> memref<2600000x32xf32, #tpu.memory_space<hbm>>
    tpu.enqueue_indirect_dma source(%dma_start3A_268 : memref<2600000x32xf32, #tpu.memory_space<hbm>>) target(%dma_start3A_263 : memref<128x32xf32, #tpu.memory_space<vmem>>) offsets(%dma_start3A_265 : memref<128xi32, #tpu.memory_space<vmem>>) semaphore(%arg7 : memref<!tpu.dma_semaphore, #tpu.memory_space<semaphore_mem>>)
    %dma_start3A_269 = arith.constant 2560 : i32
    %dma_start3A_270 = arith.constant 0 : i32
    %dma_start3A_271 = tpu.memref_slice %arg6[%dma_start3A_269, %dma_start3A_270] : memref<3328x32xf32, #tpu.memory_space<vmem>> -> memref<128x32xf32, #tpu.memory_space<vmem>>
    %dma_start3A_272 = arith.constant 2560 : i32
    %dma_start3A_273 = tpu.memref_slice %arg5[%dma_start3A_272] : memref<3328xi32, #tpu.memory_space<vmem>> -> memref<128xi32, #tpu.memory_space<vmem>>
    %dma_start3A_274 = arith.constant 0 : i32
    %dma_start3A_275 = arith.constant 0 : i32
    %dma_start3A_276 = tpu.memref_slice %arg2[%dma_start3A_274, %dma_start3A_275] : memref<2600000x32xf32, #tpu.memory_space<hbm>> -> memref<2600000x32xf32, #tpu.memory_space<hbm>>
    tpu.enqueue_indirect_dma source(%dma_start3A_276 : memref<2600000x32xf32, #tpu.memory_space<hbm>>) target(%dma_start3A_271 : memref<128x32xf32, #tpu.memory_space<vmem>>) offsets(%dma_start3A_273 : memref<128xi32, #tpu.memory_space<vmem>>) semaphore(%arg7 : memref<!tpu.dma_semaphore, #tpu.memory_space<semaphore_mem>>)
    %dma_start3A_277 = arith.constant 2688 : i32
    %dma_start3A_278 = arith.constant 0 : i32
    %dma_start3A_279 = tpu.memref_slice %arg6[%dma_start3A_277, %dma_start3A_278] : memref<3328x32xf32, #tpu.memory_space<vmem>> -> memref<128x32xf32, #tpu.memory_space<vmem>>
    %dma_start3A_280 = arith.constant 2688 : i32
    %dma_start3A_281 = tpu.memref_slice %arg5[%dma_start3A_280] : memref<3328xi32, #tpu.memory_space<vmem>> -> memref<128xi32, #tpu.memory_space<vmem>>
    %dma_start3A_282 = arith.constant 0 : i32
    %dma_start3A_283 = arith.constant 0 : i32
    %dma_start3A_284 = tpu.memref_slice %arg2[%dma_start3A_282, %dma_start3A_283] : memref<2600000x32xf32, #tpu.memory_space<hbm>> -> memref<2600000x32xf32, #tpu.memory_space<hbm>>
    tpu.enqueue_indirect_dma source(%dma_start3A_284 : memref<2600000x32xf32, #tpu.memory_space<hbm>>) target(%dma_start3A_279 : memref<128x32xf32, #tpu.memory_space<vmem>>) offsets(%dma_start3A_281 : memref<128xi32, #tpu.memory_space<vmem>>) semaphore(%arg7 : memref<!tpu.dma_semaphore, #tpu.memory_space<semaphore_mem>>)
    %dma_start3A_285 = arith.constant 2816 : i32
    %dma_start3A_286 = arith.constant 0 : i32
    %dma_start3A_287 = tpu.memref_slice %arg6[%dma_start3A_285, %dma_start3A_286] : memref<3328x32xf32, #tpu.memory_space<vmem>> -> memref<128x32xf32, #tpu.memory_space<vmem>>
    %dma_start3A_288 = arith.constant 2816 : i32
    %dma_start3A_289 = tpu.memref_slice %arg5[%dma_start3A_288] : memref<3328xi32, #tpu.memory_space<vmem>> -> memref<128xi32, #tpu.memory_space<vmem>>
    %dma_start3A_290 = arith.constant 0 : i32
    %dma_start3A_291 = arith.constant 0 : i32
    %dma_start3A_292 = tpu.memref_slice %arg2[%dma_start3A_290, %dma_start3A_291] : memref<2600000x32xf32, #tpu.memory_space<hbm>> -> memref<2600000x32xf32, #tpu.memory_space<hbm>>
    tpu.enqueue_indirect_dma source(%dma_start3A_292 : memref<2600000x32xf32, #tpu.memory_space<hbm>>) target(%dma_start3A_287 : memref<128x32xf32, #tpu.memory_space<vmem>>) offsets(%dma_start3A_289 : memref<128xi32, #tpu.memory_space<vmem>>) semaphore(%arg7 : memref<!tpu.dma_semaphore, #tpu.memory_space<semaphore_mem>>)
    %dma_start3A_293 = arith.constant 2944 : i32
    %dma_start3A_294 = arith.constant 0 : i32
    %dma_start3A_295 = tpu.memref_slice %arg6[%dma_start3A_293, %dma_start3A_294] : memref<3328x32xf32, #tpu.memory_space<vmem>> -> memref<128x32xf32, #tpu.memory_space<vmem>>
    %dma_start3A_296 = arith.constant 2944 : i32
    %dma_start3A_297 = tpu.memref_slice %arg5[%dma_start3A_296] : memref<3328xi32, #tpu.memory_space<vmem>> -> memref<128xi32, #tpu.memory_space<vmem>>
    %dma_start3A_298 = arith.constant 0 : i32
    %dma_start3A_299 = arith.constant 0 : i32
    %dma_start3A_300 = tpu.memref_slice %arg2[%dma_start3A_298, %dma_start3A_299] : memref<2600000x32xf32, #tpu.memory_space<hbm>> -> memref<2600000x32xf32, #tpu.memory_space<hbm>>
    tpu.enqueue_indirect_dma source(%dma_start3A_300 : memref<2600000x32xf32, #tpu.memory_space<hbm>>) target(%dma_start3A_295 : memref<128x32xf32, #tpu.memory_space<vmem>>) offsets(%dma_start3A_297 : memref<128xi32, #tpu.memory_space<vmem>>) semaphore(%arg7 : memref<!tpu.dma_semaphore, #tpu.memory_space<semaphore_mem>>)
    %dma_start3A_301 = arith.constant 3072 : i32
    %dma_start3A_302 = arith.constant 0 : i32
    %dma_start3A_303 = tpu.memref_slice %arg6[%dma_start3A_301, %dma_start3A_302] : memref<3328x32xf32, #tpu.memory_space<vmem>> -> memref<128x32xf32, #tpu.memory_space<vmem>>
    %dma_start3A_304 = arith.constant 3072 : i32
    %dma_start3A_305 = tpu.memref_slice %arg5[%dma_start3A_304] : memref<3328xi32, #tpu.memory_space<vmem>> -> memref<128xi32, #tpu.memory_space<vmem>>
    %dma_start3A_306 = arith.constant 0 : i32
    %dma_start3A_307 = arith.constant 0 : i32
    %dma_start3A_308 = tpu.memref_slice %arg2[%dma_start3A_306, %dma_start3A_307] : memref<2600000x32xf32, #tpu.memory_space<hbm>> -> memref<2600000x32xf32, #tpu.memory_space<hbm>>
    tpu.enqueue_indirect_dma source(%dma_start3A_308 : memref<2600000x32xf32, #tpu.memory_space<hbm>>) target(%dma_start3A_303 : memref<128x32xf32, #tpu.memory_space<vmem>>) offsets(%dma_start3A_305 : memref<128xi32, #tpu.memory_space<vmem>>) semaphore(%arg7 : memref<!tpu.dma_semaphore, #tpu.memory_space<semaphore_mem>>)
    %dma_start3A_309 = arith.constant 3200 : i32
    %dma_start3A_310 = arith.constant 0 : i32
    %dma_start3A_311 = tpu.memref_slice %arg6[%dma_start3A_309, %dma_start3A_310] : memref<3328x32xf32, #tpu.memory_space<vmem>> -> memref<128x32xf32, #tpu.memory_space<vmem>>
    %dma_start3A_312 = arith.constant 3200 : i32
    %dma_start3A_313 = tpu.memref_slice %arg5[%dma_start3A_312] : memref<3328xi32, #tpu.memory_space<vmem>> -> memref<128xi32, #tpu.memory_space<vmem>>
    %dma_start3A_314 = arith.constant 0 : i32
    %dma_start3A_315 = arith.constant 0 : i32
    %dma_start3A_316 = tpu.memref_slice %arg2[%dma_start3A_314, %dma_start3A_315] : memref<2600000x32xf32, #tpu.memory_space<hbm>> -> memref<2600000x32xf32, #tpu.memory_space<hbm>>
    tpu.enqueue_indirect_dma source(%dma_start3A_316 : memref<2600000x32xf32, #tpu.memory_space<hbm>>) target(%dma_start3A_311 : memref<128x32xf32, #tpu.memory_space<vmem>>) offsets(%dma_start3A_313 : memref<128xi32, #tpu.memory_space<vmem>>) semaphore(%arg7 : memref<!tpu.dma_semaphore, #tpu.memory_space<semaphore_mem>>)
    %dma_wait3A_317 = arith.constant 1664 : i32
    %dma_wait3A_318 = arith.constant 0 : i32
    %dma_wait3A_319 = tpu.memref_slice %arg6[%dma_wait3A_317, %dma_wait3A_318] : memref<3328x32xf32, #tpu.memory_space<vmem>> -> memref<128x32xf32, #tpu.memory_space<vmem>>
    %dma_wait3A_320 = arith.constant 1664 : i32
    %dma_wait3A_321 = tpu.memref_slice %arg5[%dma_wait3A_320] : memref<3328xi32, #tpu.memory_space<vmem>> -> memref<128xi32, #tpu.memory_space<vmem>>
    %dma_wait3A_322 = arith.constant 0 : i32
    %dma_wait3A_323 = arith.constant 0 : i32
    %dma_wait3A_324 = tpu.memref_slice %arg2[%dma_wait3A_322, %dma_wait3A_323] : memref<2600000x32xf32, #tpu.memory_space<hbm>> -> memref<2600000x32xf32, #tpu.memory_space<hbm>>
    tpu.wait_indirect_dma semaphore(%arg7 : memref<!tpu.dma_semaphore, #tpu.memory_space<semaphore_mem>>) src(%dma_wait3A_324 : memref<2600000x32xf32, #tpu.memory_space<hbm>>) dst(%dma_wait3A_319 : memref<128x32xf32, #tpu.memory_space<vmem>>)
    %dma_wait3A_325 = arith.constant 1792 : i32
    %dma_wait3A_326 = arith.constant 0 : i32
    %dma_wait3A_327 = tpu.memref_slice %arg6[%dma_wait3A_325, %dma_wait3A_326] : memref<3328x32xf32, #tpu.memory_space<vmem>> -> memref<128x32xf32, #tpu.memory_space<vmem>>
    %dma_wait3A_328 = arith.constant 1792 : i32
    %dma_wait3A_329 = tpu.memref_slice %arg5[%dma_wait3A_328] : memref<3328xi32, #tpu.memory_space<vmem>> -> memref<128xi32, #tpu.memory_space<vmem>>
    %dma_wait3A_330 = arith.constant 0 : i32
    %dma_wait3A_331 = arith.constant 0 : i32
    %dma_wait3A_332 = tpu.memref_slice %arg2[%dma_wait3A_330, %dma_wait3A_331] : memref<2600000x32xf32, #tpu.memory_space<hbm>> -> memref<2600000x32xf32, #tpu.memory_space<hbm>>
    tpu.wait_indirect_dma semaphore(%arg7 : memref<!tpu.dma_semaphore, #tpu.memory_space<semaphore_mem>>) src(%dma_wait3A_332 : memref<2600000x32xf32, #tpu.memory_space<hbm>>) dst(%dma_wait3A_327 : memref<128x32xf32, #tpu.memory_space<vmem>>)
    %dma_wait3A_333 = arith.constant 1920 : i32
    %dma_wait3A_334 = arith.constant 0 : i32
    %dma_wait3A_335 = tpu.memref_slice %arg6[%dma_wait3A_333, %dma_wait3A_334] : memref<3328x32xf32, #tpu.memory_space<vmem>> -> memref<128x32xf32, #tpu.memory_space<vmem>>
    %dma_wait3A_336 = arith.constant 1920 : i32
    %dma_wait3A_337 = tpu.memref_slice %arg5[%dma_wait3A_336] : memref<3328xi32, #tpu.memory_space<vmem>> -> memref<128xi32, #tpu.memory_space<vmem>>
    %dma_wait3A_338 = arith.constant 0 : i32
    %dma_wait3A_339 = arith.constant 0 : i32
    %dma_wait3A_340 = tpu.memref_slice %arg2[%dma_wait3A_338, %dma_wait3A_339] : memref<2600000x32xf32, #tpu.memory_space<hbm>> -> memref<2600000x32xf32, #tpu.memory_space<hbm>>
    tpu.wait_indirect_dma semaphore(%arg7 : memref<!tpu.dma_semaphore, #tpu.memory_space<semaphore_mem>>) src(%dma_wait3A_340 : memref<2600000x32xf32, #tpu.memory_space<hbm>>) dst(%dma_wait3A_335 : memref<128x32xf32, #tpu.memory_space<vmem>>)
    %dma_wait3A_341 = arith.constant 2048 : i32
    %dma_wait3A_342 = arith.constant 0 : i32
    %dma_wait3A_343 = tpu.memref_slice %arg6[%dma_wait3A_341, %dma_wait3A_342] : memref<3328x32xf32, #tpu.memory_space<vmem>> -> memref<128x32xf32, #tpu.memory_space<vmem>>
    %dma_wait3A_344 = arith.constant 2048 : i32
    %dma_wait3A_345 = tpu.memref_slice %arg5[%dma_wait3A_344] : memref<3328xi32, #tpu.memory_space<vmem>> -> memref<128xi32, #tpu.memory_space<vmem>>
    %dma_wait3A_346 = arith.constant 0 : i32
    %dma_wait3A_347 = arith.constant 0 : i32
    %dma_wait3A_348 = tpu.memref_slice %arg2[%dma_wait3A_346, %dma_wait3A_347] : memref<2600000x32xf32, #tpu.memory_space<hbm>> -> memref<2600000x32xf32, #tpu.memory_space<hbm>>
    tpu.wait_indirect_dma semaphore(%arg7 : memref<!tpu.dma_semaphore, #tpu.memory_space<semaphore_mem>>) src(%dma_wait3A_348 : memref<2600000x32xf32, #tpu.memory_space<hbm>>) dst(%dma_wait3A_343 : memref<128x32xf32, #tpu.memory_space<vmem>>)
    %dma_wait3A_349 = arith.constant 2176 : i32
    %dma_wait3A_350 = arith.constant 0 : i32
    %dma_wait3A_351 = tpu.memref_slice %arg6[%dma_wait3A_349, %dma_wait3A_350] : memref<3328x32xf32, #tpu.memory_space<vmem>> -> memref<128x32xf32, #tpu.memory_space<vmem>>
    %dma_wait3A_352 = arith.constant 2176 : i32
    %dma_wait3A_353 = tpu.memref_slice %arg5[%dma_wait3A_352] : memref<3328xi32, #tpu.memory_space<vmem>> -> memref<128xi32, #tpu.memory_space<vmem>>
    %dma_wait3A_354 = arith.constant 0 : i32
    %dma_wait3A_355 = arith.constant 0 : i32
    %dma_wait3A_356 = tpu.memref_slice %arg2[%dma_wait3A_354, %dma_wait3A_355] : memref<2600000x32xf32, #tpu.memory_space<hbm>> -> memref<2600000x32xf32, #tpu.memory_space<hbm>>
    tpu.wait_indirect_dma semaphore(%arg7 : memref<!tpu.dma_semaphore, #tpu.memory_space<semaphore_mem>>) src(%dma_wait3A_356 : memref<2600000x32xf32, #tpu.memory_space<hbm>>) dst(%dma_wait3A_351 : memref<128x32xf32, #tpu.memory_space<vmem>>)
    %dma_wait3A_357 = arith.constant 2304 : i32
    %dma_wait3A_358 = arith.constant 0 : i32
    %dma_wait3A_359 = tpu.memref_slice %arg6[%dma_wait3A_357, %dma_wait3A_358] : memref<3328x32xf32, #tpu.memory_space<vmem>> -> memref<128x32xf32, #tpu.memory_space<vmem>>
    %dma_wait3A_360 = arith.constant 2304 : i32
    %dma_wait3A_361 = tpu.memref_slice %arg5[%dma_wait3A_360] : memref<3328xi32, #tpu.memory_space<vmem>> -> memref<128xi32, #tpu.memory_space<vmem>>
    %dma_wait3A_362 = arith.constant 0 : i32
    %dma_wait3A_363 = arith.constant 0 : i32
    %dma_wait3A_364 = tpu.memref_slice %arg2[%dma_wait3A_362, %dma_wait3A_363] : memref<2600000x32xf32, #tpu.memory_space<hbm>> -> memref<2600000x32xf32, #tpu.memory_space<hbm>>
    tpu.wait_indirect_dma semaphore(%arg7 : memref<!tpu.dma_semaphore, #tpu.memory_space<semaphore_mem>>) src(%dma_wait3A_364 : memref<2600000x32xf32, #tpu.memory_space<hbm>>) dst(%dma_wait3A_359 : memref<128x32xf32, #tpu.memory_space<vmem>>)
    %dma_wait3A_365 = arith.constant 2432 : i32
    %dma_wait3A_366 = arith.constant 0 : i32
    %dma_wait3A_367 = tpu.memref_slice %arg6[%dma_wait3A_365, %dma_wait3A_366] : memref<3328x32xf32, #tpu.memory_space<vmem>> -> memref<128x32xf32, #tpu.memory_space<vmem>>
    %dma_wait3A_368 = arith.constant 2432 : i32
    %dma_wait3A_369 = tpu.memref_slice %arg5[%dma_wait3A_368] : memref<3328xi32, #tpu.memory_space<vmem>> -> memref<128xi32, #tpu.memory_space<vmem>>
    %dma_wait3A_370 = arith.constant 0 : i32
    %dma_wait3A_371 = arith.constant 0 : i32
    %dma_wait3A_372 = tpu.memref_slice %arg2[%dma_wait3A_370, %dma_wait3A_371] : memref<2600000x32xf32, #tpu.memory_space<hbm>> -> memref<2600000x32xf32, #tpu.memory_space<hbm>>
    tpu.wait_indirect_dma semaphore(%arg7 : memref<!tpu.dma_semaphore, #tpu.memory_space<semaphore_mem>>) src(%dma_wait3A_372 : memref<2600000x32xf32, #tpu.memory_space<hbm>>) dst(%dma_wait3A_367 : memref<128x32xf32, #tpu.memory_space<vmem>>)
    %dma_wait3A_373 = arith.constant 2560 : i32
    %dma_wait3A_374 = arith.constant 0 : i32
    %dma_wait3A_375 = tpu.memref_slice %arg6[%dma_wait3A_373, %dma_wait3A_374] : memref<3328x32xf32, #tpu.memory_space<vmem>> -> memref<128x32xf32, #tpu.memory_space<vmem>>
    %dma_wait3A_376 = arith.constant 2560 : i32
    %dma_wait3A_377 = tpu.memref_slice %arg5[%dma_wait3A_376] : memref<3328xi32, #tpu.memory_space<vmem>> -> memref<128xi32, #tpu.memory_space<vmem>>
    %dma_wait3A_378 = arith.constant 0 : i32
    %dma_wait3A_379 = arith.constant 0 : i32
    %dma_wait3A_380 = tpu.memref_slice %arg2[%dma_wait3A_378, %dma_wait3A_379] : memref<2600000x32xf32, #tpu.memory_space<hbm>> -> memref<2600000x32xf32, #tpu.memory_space<hbm>>
    tpu.wait_indirect_dma semaphore(%arg7 : memref<!tpu.dma_semaphore, #tpu.memory_space<semaphore_mem>>) src(%dma_wait3A_380 : memref<2600000x32xf32, #tpu.memory_space<hbm>>) dst(%dma_wait3A_375 : memref<128x32xf32, #tpu.memory_space<vmem>>)
    %dma_wait3A_381 = arith.constant 2688 : i32
    %dma_wait3A_382 = arith.constant 0 : i32
    %dma_wait3A_383 = tpu.memref_slice %arg6[%dma_wait3A_381, %dma_wait3A_382] : memref<3328x32xf32, #tpu.memory_space<vmem>> -> memref<128x32xf32, #tpu.memory_space<vmem>>
    %dma_wait3A_384 = arith.constant 2688 : i32
    %dma_wait3A_385 = tpu.memref_slice %arg5[%dma_wait3A_384] : memref<3328xi32, #tpu.memory_space<vmem>> -> memref<128xi32, #tpu.memory_space<vmem>>
    %dma_wait3A_386 = arith.constant 0 : i32
    %dma_wait3A_387 = arith.constant 0 : i32
    %dma_wait3A_388 = tpu.memref_slice %arg2[%dma_wait3A_386, %dma_wait3A_387] : memref<2600000x32xf32, #tpu.memory_space<hbm>> -> memref<2600000x32xf32, #tpu.memory_space<hbm>>
    tpu.wait_indirect_dma semaphore(%arg7 : memref<!tpu.dma_semaphore, #tpu.memory_space<semaphore_mem>>) src(%dma_wait3A_388 : memref<2600000x32xf32, #tpu.memory_space<hbm>>) dst(%dma_wait3A_383 : memref<128x32xf32, #tpu.memory_space<vmem>>)
    %dma_wait3A_389 = arith.constant 2816 : i32
    %dma_wait3A_390 = arith.constant 0 : i32
    %dma_wait3A_391 = tpu.memref_slice %arg6[%dma_wait3A_389, %dma_wait3A_390] : memref<3328x32xf32, #tpu.memory_space<vmem>> -> memref<128x32xf32, #tpu.memory_space<vmem>>
    %dma_wait3A_392 = arith.constant 2816 : i32
    %dma_wait3A_393 = tpu.memref_slice %arg5[%dma_wait3A_392] : memref<3328xi32, #tpu.memory_space<vmem>> -> memref<128xi32, #tpu.memory_space<vmem>>
    %dma_wait3A_394 = arith.constant 0 : i32
    %dma_wait3A_395 = arith.constant 0 : i32
    %dma_wait3A_396 = tpu.memref_slice %arg2[%dma_wait3A_394, %dma_wait3A_395] : memref<2600000x32xf32, #tpu.memory_space<hbm>> -> memref<2600000x32xf32, #tpu.memory_space<hbm>>
    tpu.wait_indirect_dma semaphore(%arg7 : memref<!tpu.dma_semaphore, #tpu.memory_space<semaphore_mem>>) src(%dma_wait3A_396 : memref<2600000x32xf32, #tpu.memory_space<hbm>>) dst(%dma_wait3A_391 : memref<128x32xf32, #tpu.memory_space<vmem>>)
    %dma_wait3A_397 = arith.constant 2944 : i32
    %dma_wait3A_398 = arith.constant 0 : i32
    %dma_wait3A_399 = tpu.memref_slice %arg6[%dma_wait3A_397, %dma_wait3A_398] : memref<3328x32xf32, #tpu.memory_space<vmem>> -> memref<128x32xf32, #tpu.memory_space<vmem>>
    %dma_wait3A_400 = arith.constant 2944 : i32
    %dma_wait3A_401 = tpu.memref_slice %arg5[%dma_wait3A_400] : memref<3328xi32, #tpu.memory_space<vmem>> -> memref<128xi32, #tpu.memory_space<vmem>>
    %dma_wait3A_402 = arith.constant 0 : i32
    %dma_wait3A_403 = arith.constant 0 : i32
    %dma_wait3A_404 = tpu.memref_slice %arg2[%dma_wait3A_402, %dma_wait3A_403] : memref<2600000x32xf32, #tpu.memory_space<hbm>> -> memref<2600000x32xf32, #tpu.memory_space<hbm>>
    tpu.wait_indirect_dma semaphore(%arg7 : memref<!tpu.dma_semaphore, #tpu.memory_space<semaphore_mem>>) src(%dma_wait3A_404 : memref<2600000x32xf32, #tpu.memory_space<hbm>>) dst(%dma_wait3A_399 : memref<128x32xf32, #tpu.memory_space<vmem>>)
    %dma_wait3A_405 = arith.constant 3072 : i32
    %dma_wait3A_406 = arith.constant 0 : i32
    %dma_wait3A_407 = tpu.memref_slice %arg6[%dma_wait3A_405, %dma_wait3A_406] : memref<3328x32xf32, #tpu.memory_space<vmem>> -> memref<128x32xf32, #tpu.memory_space<vmem>>
    %dma_wait3A_408 = arith.constant 3072 : i32
    %dma_wait3A_409 = tpu.memref_slice %arg5[%dma_wait3A_408] : memref<3328xi32, #tpu.memory_space<vmem>> -> memref<128xi32, #tpu.memory_space<vmem>>
    %dma_wait3A_410 = arith.constant 0 : i32
    %dma_wait3A_411 = arith.constant 0 : i32
    %dma_wait3A_412 = tpu.memref_slice %arg2[%dma_wait3A_410, %dma_wait3A_411] : memref<2600000x32xf32, #tpu.memory_space<hbm>> -> memref<2600000x32xf32, #tpu.memory_space<hbm>>
    tpu.wait_indirect_dma semaphore(%arg7 : memref<!tpu.dma_semaphore, #tpu.memory_space<semaphore_mem>>) src(%dma_wait3A_412 : memref<2600000x32xf32, #tpu.memory_space<hbm>>) dst(%dma_wait3A_407 : memref<128x32xf32, #tpu.memory_space<vmem>>)
    %dma_wait3A_413 = arith.constant 3200 : i32
    %dma_wait3A_414 = arith.constant 0 : i32
    %dma_wait3A_415 = tpu.memref_slice %arg6[%dma_wait3A_413, %dma_wait3A_414] : memref<3328x32xf32, #tpu.memory_space<vmem>> -> memref<128x32xf32, #tpu.memory_space<vmem>>
    %dma_wait3A_416 = arith.constant 3200 : i32
    %dma_wait3A_417 = tpu.memref_slice %arg5[%dma_wait3A_416] : memref<3328xi32, #tpu.memory_space<vmem>> -> memref<128xi32, #tpu.memory_space<vmem>>
    %dma_wait3A_418 = arith.constant 0 : i32
    %dma_wait3A_419 = arith.constant 0 : i32
    %dma_wait3A_420 = tpu.memref_slice %arg2[%dma_wait3A_418, %dma_wait3A_419] : memref<2600000x32xf32, #tpu.memory_space<hbm>> -> memref<2600000x32xf32, #tpu.memory_space<hbm>>
    tpu.wait_indirect_dma semaphore(%arg7 : memref<!tpu.dma_semaphore, #tpu.memory_space<semaphore_mem>>) src(%dma_wait3A_420 : memref<2600000x32xf32, #tpu.memory_space<hbm>>) dst(%dma_wait3A_415 : memref<128x32xf32, #tpu.memory_space<vmem>>)
    "tpu.region"() ({
      %run_scoped3A = tpu.sem_alloc : memref<!tpu.dma_semaphore, #tpu.memory_space<semaphore_mem>>
      %dma_start3A_421 = arith.constant 0 : i32
      %dma_start3A_422 = tpu.memref_slice %arg4[%mul3A_2, %dma_start3A_421] : memref<106496x32xf32, #tpu.memory_space<hbm>> -> memref<3328x32xf32, #tpu.memory_space<hbm>>
      %dma_start3A_423 = arith.constant 0 : i32
      %dma_start3A_424 = tpu.memref_slice %arg4[%mul3A_2, %dma_start3A_423] : memref<106496x32xf32, #tpu.memory_space<hbm>> -> memref<3328x32xf32, #tpu.memory_space<hbm>>
      tpu.enqueue_dma source(%arg6 : memref<3328x32xf32, #tpu.memory_space<vmem>>) target(%dma_start3A_424 : memref<3328x32xf32, #tpu.memory_space<hbm>>) target_semaphore(%run_scoped3A : memref<!tpu.dma_semaphore, #tpu.memory_space<semaphore_mem>>)
      %dma_wait3A_425 = arith.constant 0 : i32
      %dma_wait3A_426 = tpu.memref_slice %arg4[%mul3A_2, %dma_wait3A_425] : memref<106496x32xf32, #tpu.memory_space<hbm>> -> memref<3328x32xf32, #tpu.memory_space<hbm>>
      %dma_wait3A_427 = arith.constant 0 : i32
      %dma_wait3A_428 = tpu.memref_slice %arg4[%mul3A_2, %dma_wait3A_427] : memref<106496x32xf32, #tpu.memory_space<hbm>> -> memref<3328x32xf32, #tpu.memory_space<hbm>>
      tpu.wait_dma2 semaphore(%run_scoped3A : memref<!tpu.dma_semaphore, #tpu.memory_space<semaphore_mem>>) src(%arg6 : memref<3328x32xf32, #tpu.memory_space<vmem>>) dst(%dma_wait3A_428 : memref<3328x32xf32, #tpu.memory_space<hbm>>)
      tpu.yield
    }) : () -> ()
    return
  }
}

</mosaic_0001>

<sc_bundles>
// kernel: _gather.3.cloned.1.call-start
scs
__scs_entry_jumppad:
0x0: {  	(pc) =	sbr.rel $0x88, $3  }
0x1: {  	(tag) =	ssettag $0x0;
	lr =	simm.s32 $0x1  }
0x2: {  	[smem:$0x3F9F] =	sst lr;
	_ =	strace $0xD0000000  }
0x3: {  	_ = 	snop  }
0x4: {  	_ = 	snop  }
0x5: {  	_ = 	snop  }
0x6: {  	_ = 	snop  }
0x7: {  	_ = 	snop  }
__scs_overlays_trampoline_lowered:
0x8: {  	[smem:$0x3FAE] =	sst s0  }
0x9: {  	[smem:$0x3FAF] =	sst s1  }
0xa: {  	[smem:$0x3FB0] =	sst s2  }
0xb: {  	[smem:$0x3FB1] =	sst s3  }
0xc: {  	[smem:$0x3FB2] =	sst s4  }
0xd: {  	[smem:$0x3FB3] =	sst s5  }
0xe: {  	[smem:$0x3FB4] =	sst s6  }
0xf: {  	[smem:$0x3FB5] =	sst s7  }
0x10: {  	[smem:$0x3FB6] =	sst s8  }
0x11: {  	[smem:$0x3FB7] =	sst s9;
	s0 =	simm.s32 @!p0 $0x0  }
0x12: {  	s1 =	sld [smem:$0x3F9D];
	s0 =	simm.s32 @p0 $0x1  }
0x13: {  	[smem:$0x3FB8] =	sst s0;
	s0 =	simm.s32 @!p1 $0x0  }
0x14: {  	s2 =	sld [smem:$0x3F9C];
	s0 =	simm.s32 @p1 $0x1  }
0x15: {  	[smem:$0x3FB9] =	sst s0;
	s0 =	simm.s32 @!p2 $0x0  }
0x16: {  	s3 =	sld [smem:$0x3FDB];
	s0 =	simm.s32 @p2 $0x1  }
0x17: {  	s4 =	simm.s32 $0x1BF5;
	[smem:$0x3FBB] =	sst s0  }
0x18: {  	s0 =	sld [smem:$0x3F9E];
	_ =	swait.ge [sflag:s4], $0x0  }
0x19: {  	s7 =	sld [smem:$0x3F9F]  }
0x1a: {  	s8 =	sadd.s32 $0xFFFFE003, lr  }
0x1b: {  	s9 =	sadd.s32 $0xFFFFFEF7, lr;
	s5 =	simm.s32 $0xFFFFFFFF;
	p2 =	slt.u32 s8, $0xFFFFF086  }
0x1c: {  	p1 =	slt.u32 s9, $0xF7A;
	s5 =	simm.s32 @!p2 $0x0  }
0x1d: {  	s5 =	simm.s32 @p1 $0x1;
	p0 =	seq.s32 s7, s2  }
0x1e: {  	s7 =	smul.u32 @!p0 $0xF7A, s2;
	p2 =	seq.s32 @!p0 s5, $0x0  }
0x1f: {  	s9 =	smul.u32 $0xF7A, s1;
	s8 =	simm.s32 @!p0 $0x1BF5;
	p2 =	por !p2, p0  }
0x20: {  	[sflag:s8] =	ssyncset.s32 @!p0 $0xFFFFF086;
	s6 =	sadd.s32 @!p0 s3, s7;
	s7 =	simm.s32 @!p0 $0x108  }
0x21: {  	s3 =	sadd.s32 s3, s9;
	s6 =	sadd.s32 @!p0 $0x88, s6;
	s7 =	simm.s32 @p2 $0x1082  }
0x22: {  	[simem:s7], [sflag:s8] =	dma.local @!p0 [hbm:s6], $0xF7A  }
0x23: {  	s9 =	sor.u32 $0xD0000000, s2;
	s6 =	simm.s32 $0x108;
	_ =	swait.ge @!p0 [sflag:s8], $0x0  }
0x24: {  	s3 =	sadd.s32 $0x88, s3;
	s6 =	simm.s32 @!p1 $0x1082;
	[sflag:s4] =	ssyncset.s32 $0xFFFFF086  }
0x25: {  	[simem:s6], [sflag:s4] =	dma.local [hbm:s3], $0xF7A  }
0x26: {  	[smem:$0x3F9F] =	sst s1;
	(tag) =	ssettag s2;
	_ =	strace s9  }
0x27: {  	s1 =	sld [smem:$0x3FAF]  }
0x28: {  	s2 =	sld [smem:$0x3FB0]  }
0x29: {  	s4 =	sld [smem:$0x3FB2]  }
0x2a: {  	p0 =	seq.s32 s5, $0x0;
	s5 =	sld [smem:$0x3FB3]  }
0x2b: {  	s6 =	sld [smem:$0x3FB4]  }
0x2c: {  	s7 =	sld [smem:$0x3FB5]  }
0x2d: {  	s3 =	simm.s32 $0x108;
	s8 =	sld [smem:$0x3FB6]  }
0x2e: {  	s3 =	simm.s32 @!p0 $0x1082;
	s9 =	sld [smem:$0x3FB7]  }
0x2f: {  	lr =	sadd.s32 s0, s3;
	s0 =	sld [smem:$0x3FAE]  }
0x30: {  	s3 =	sld [smem:$0x3FB1]  }
0x31: {  	[smem:$0x3FBA] =	sst s10  }
0x32: {  	s10 =	sld [smem:$0x3FB8];
	_ =	sdelay $0x3  }
0x33: {  	p0 =	seq.s32 s10, $0x1;
	s10 =	sld [smem:$0x3FBA];
	_ =	sdelay $0x3  }
0x34: {  	[smem:$0x3FBA] =	sst s10  }
0x35: {  	s10 =	sld [smem:$0x3FB9];
	_ =	sdelay $0x3  }
0x36: {  	p1 =	seq.s32 s10, $0x1;
	s10 =	sld [smem:$0x3FBA];
	_ =	sdelay $0x3  }
0x37: {  	[smem:$0x3FBA] =	sst s10  }
0x38: {  	s10 =	sld [smem:$0x3FBB]  }
0x39: {  	_ = 	snop;
	(pc) =	sbr.ind lr, $3  }
0x3a: {  	_ = 	snop  }
0x3b: {  	_ = 	snop  }
0x3c: {  	p2 =	seq.s32 s10, $0x1;
	s10 =	sld [smem:$0x3FBA]  }
0x3d: {  	_ =	shalt  }
0x3e: {  	_ =	shalt  }
0x3f: {  	_ =	shalt  }
0x40: {  	_ =	shalt  }
0x41: {  	_ =	shalt  }
0x42: {  	_ =	shalt  }
0x43: {  	_ =	shalt  }
0x44: {  	_ =	shalt  }
0x45: {  	_ =	shalt  }
0x46: {  	_ =	shalt  }
0x47: {  	_ =	shalt  }
0x48: {  	_ =	shalt  }
0x49: {  	_ =	shalt  }
0x4a: {  	_ =	shalt  }
0x4b: {  	_ =	shalt  }
0x4c: {  	_ =	shalt  }
0x4d: {  	_ =	shalt  }
0x4e: {  	_ =	shalt  }
0x4f: {  	_ =	shalt  }
0x50: {  	_ =	shalt  }
0x51: {  	_ =	shalt  }
0x52: {  	_ =	shalt  }
0x53: {  	_ =	shalt  }
0x54: {  	_ =	shalt  }
0x55: {  	_ =	shalt  }
0x56: {  	_ =	shalt  }
0x57: {  	_ =	shalt  }
0x58: {  	_ =	shalt  }
0x59: {  	_ =	shalt  }
0x5a: {  	_ =	shalt  }
0x5b: {  	_ =	shalt  }
0x5c: {  	_ =	shalt  }
0x5d: {  	_ =	shalt  }
0x5e: {  	_ =	shalt  }
0x5f: {  	_ =	shalt  }
0x60: {  	_ =	shalt  }
0x61: {  	_ =	shalt  }
0x62: {  	_ =	shalt  }
0x63: {  	_ =	shalt  }
0x64: {  	_ =	shalt  }
0x65: {  	_ =	shalt  }
0x66: {  	_ =	shalt  }
0x67: {  	_ =	shalt  }
0x68: {  	_ =	shalt  }
0x69: {  	_ =	shalt  }
0x6a: {  	_ =	shalt  }
0x6b: {  	_ =	shalt  }
0x6c: {  	_ =	shalt  }
0x6d: {  	_ =	shalt  }
0x6e: {  	_ =	shalt  }
0x6f: {  	_ =	shalt  }
0x70: {  	_ =	shalt  }
0x71: {  	_ =	shalt  }
0x72: {  	_ =	shalt  }
0x73: {  	_ =	shalt  }
0x74: {  	_ =	shalt  }
0x75: {  	_ =	shalt  }
0x76: {  	_ =	shalt  }
0x77: {  	_ =	shalt  }
0x78: {  	_ =	shalt  }
0x79: {  	_ =	shalt  }
0x7a: {  	_ =	shalt  }
0x7b: {  	_ =	shalt  }
0x7c: {  	_ =	shalt  }
0x7d: {  	_ =	shalt  }
0x7e: {  	_ =	shalt  }
0x7f: {  	_ =	shalt  }
0x80: {  	_ =	shalt  }
0x81: {  	_ =	shalt  }
0x82: {  	_ =	shalt  }
0x83: {  	_ =	shalt  }
0x84: {  	_ =	shalt  }
0x85: {  	_ =	shalt  }
0x86: {  	_ =	shalt  }
0x87: {  	_ =	shalt  }
.Lfunc_end0:
.L_simem_size_0:
called_computation_lowered:
.L_overlay_start_0:
0x88: {  	s2 =	sld [smem:$0x3FD9]  }
0x89: {  	s3 =	sld [smem:$0x3FFE];
	_ =	sdelay $0x1  }
0x8a: {  	s1 =	srdreg.scid  }
0x8b: {  	s0 =	sand.u32 $0x1, s1  }
0x8c: {  	s17 =	sshll.u32 s0, $0xA;
	s2 =	sadd.s32 s3, s2  }
0x8d: {  	s2 =	sadd.s32 s2, s17  }
0x8e: {  	[smem:$0x3FC6] =	sst s2  }
0x8f: {  	_ = 	snop  }
0x90: {  	s2 =	sld [smem:$0x3FC8]  }
0x91: {  	s18 =	sld [smem:$0x3FD0];
	(tm) =	ssettm $0x1  }
0x92: {  	s4 =	sld [smem:$0x3FFB];
	_ =	sdelay $0x3  }
0x93: {  	_ =	strace s4  }
0x94: {  	s4 =	sld [smem:$0x3FFC];
	_ =	sdelay $0x3  }
0x95: {  	_ =	strace s4  }
0x96: {  	s4 =	sld [smem:$0x3FFD];
	_ =	sdelay $0x3  }
0x97: {  	_ =	strace s4  }
0x98: {  	_ =	strace $0x8FFFFFFF  }
0x99: {  	s19 =	sld [smem:$0x3FDB];
	_ =	sdelay $0x1  }
0x9a: {  	s5 =	simm.s32 $_scs_section_size  }
0x9b: {  	s6 =	simm.s32 $_size__tile_overlayer_lowered;
	s7 =	simm.s32 $_tile_overlayer_lowered  }
0x9c: {  	s22 =	simm.s32 $0x1BFF;
	s21 =	sshll.u32 s7, $0x1;
	s4 =	sadd.s32 s5, s19  }
0x9d: {  	s8 =	simm.s32 $0x0;
	s20 =	sshll.u32 s6, $0x1;
	s6 =	sadd.s32 s21, s4  }
0x9e: {  	[timem:s8], [sflag:s22] =	dma.local [hbm:s6], s20  }
0x9f: {  	_ =	swait.ge [sflag:s22], s20  }
0xa0: {  	s5 =	ssub.s32 $0x0, s20;
	[sflag:s22] =	ssyncset.done $0x0  }
0xa1: {  	[sflag:s22] =	ssyncadd.s32 s5;
	_ =	sdelay $0x1  }
0xa2: {  	s23 =	simm.s32 $0x1B8B  }
0xa3: {  	_ =	swait.ge [sflag:s23], $0x1  }
0xa4: {  	[sflag:s23] =	ssyncset.done $0x0  }
0xa5: {  	s25 =	simm.s32 $0x1B8E;
	s24 =	sld [smem:$0x3FFE];
	[sflag:s23] =	ssyncadd.s32 $0xFFFFFFFF  }
0xa6: {  	s26 =	simm.s32 $execute0_lowered;
	[smem:$0x3FD2] =	sst s25  }
0xa7: {  	s6 =	sshll.u32 s26, $0x1;
	_ =	strace $0x80000046;
	[dreg:$0x1] =	wrdreg $0xFFFFFFFF  }
0xa8: {  	s28 =	simm.s32 $_size_execute0_lowered;
	s4 =	sadd.s32 s4, s6;
	[dreg:$0x0] =	wrdreg $0x0  }
0xa9: {  	s6 =	sshll.u32 s28, $0x1;
	[dreg:$0x2] =	wrdreg s4  }
0xaa: {  	[dreg:$0x3] =	wrdreg s6  }
0xab: {  	[dreg:$0x4] =	wrdreg $0xC0  }
0xac: {  	_ =	task [dreg:s8], $0x5FFFF  }
0xad: {  	[dreg:$0x1] =	wrdreg $0xFFFFFFFF  }
0xae: {  	[dreg:$0x0] =	wrdreg $0x60  }
0xaf: {  	[dreg:$0x2] =	wrdreg s24  }
0xb0: {  	[dreg:$0x3] =	wrdreg s2  }
0xb1: {  	[dreg:$0x4] =	wrdreg s18  }
0xb2: {  	[dreg:$0x5] =	wrdreg $0x9  }
0xb3: {  	_ =	task.clear_ibuf [dreg:s8], $0x6FFFF;
	_ =	strace $0x90000046  }
0xb4: {  	s29 =	simm.s32 $0x9;
	_ =	strace $0x80000048  }
0xb5: {  	_ =	swait.ge [sflag:s29], $0x1  }
0xb6: {  	[sflag:s29] =	ssyncadd.s32 $0xFFFFFFFF  }
0xb7: {  	_ =	strace $0x90000048  }
0xb8: {  	_ =	sfence  }
0xb9: {  	s30 =	sld [smem:$0x0];
	_ =	sdelay $0x2  }
0xba: {  	s31 =	sshll.u32 s1, $0xD;
	s1 =	sshrl.u32 s1, $0x2  }
0xbb: {  	s3 =	sand.u32 $0x4000, s31;
	s1 =	sadd.s32 s1, s30  }
0xbc: {  	s0 =	sor.u32 s3, s0;
	s1 =	sshll.u32 s1, $0x11  }
0xbd: {  	s0 =	sor.u32 s1, s0  }
0xbe: {  	s0 =	sadd.s32 $0x8F2B, s0  }
0xbf: {  	[sflag:s0] =	ssyncadd.remote.s32 $0x1  }
0xc0: {  	_ =	sfence.sel $0xFFFF  }
0xc1: {  	[dreg:$0x0] =	wrdreg $0xFFFFFFFF;
	(pc) =	sbr.abs _section_cstart, $3  }
0xc2: {  	[dreg:$0x1] =	wrdreg $0xFFFFFFFF  }
0xc3: {  	_ =	task.clear_ibuf [dreg:s8], $0x2FFFF;
	_ =	strace $0x9FFFFFFF  }
0xc4: {  	(tm) =	ssettm $0x7FFFFFFF  }
0xc5: {  	_ =	shalt  }
tec
execute0_lowered:
.L_overlay_start_1:
0x0: {  	(tag) =	ssettag $0x1  }
0x1: {  	s0 =	rddreg [dreg:$0x0]  }
0x2: {  	s1 =	rddreg [dreg:$0x1];
	s2 =	srdreg.scid  }
0x3: {  	s4 =	stileid.u32;
	s5 =	rddreg [dreg:$0x2]  }
0x4: {  	s10 =	simm.s32 $0x1;
	s18 =	simm.s32 $0x10D00;
	s19 =	simm.s32 $0x880  }
0x5: {  	s20 =	simm.s32 $0x11D00;
	s21 =	simm.s32 $0x900;
	s22 =	simm.s32 $0x12D00  }
0x6: {  	s23 =	simm.s32 $0x980;
	s24 =	simm.s32 $0x13D00;
	s28 =	simm.s32 $0xA80  }
0x7: {  	s29 =	simm.s32 $0x15D00;
	s30 =	simm.s32 $0xB00;
	s31 =	simm.s32 $0x16D00  }
0x8: {  	s11 =	simm.s32 $0xC00;
	s12 =	simm.s32 $0x18D00;
	s13 =	simm.s32 $0xC80  }
0x9: {  	s14 =	simm.s32 $0x19D00;
	s3 =	sand.u32 $0x1, s2;
	s25 =	sshll.u32 s4, $0x1  }
0xa: {  	s15 =	simm.s32 $0x0;
	s2 =	simm.s32 $0x0;
	s4 =	sor.u32 s3, s25  }
0xb: {  	s6 =	ssub.s32 $0x2, s3;
	[smem:$0x7FF] =	sst s2;
	s3 =	sadd.s32 $0x27AC800, s0  }
0xc: {  	s25 =	simm.s32 $0xA00;
	s0 =	simm.s32 $0x17D00;
	s7 =	smul.u32 $0x1A0, s4  }
0xd: {  	s8 =	sshrl.u32 s6, $0x1;
	s9 =	smul.u32 $0x3400, s4;
	_ =	strace $0x80000047  }
0xe: {  	s26 =	ssub.s32 s6, s8;
	s8 =	simm.s32 $0x80;
	s4 =	sadd.s32 s1, s7  }
0xf: {  	s5 =	sadd.s32 s5, s9;
	s6 =	smax.u32 s26, $0x1;
	s7 =	simm.s32 $0x2  }
0x10: {  	v0 =	vlaneseq.u32;
	s9 =	simm.s32 $0xD00;
	s26 =	simm.s32 $0x14D00;
	s1 =	simm.s32 $0xB80  }
.LBB2_1:
0x11: {  	v1 =	vor.u32 s2, v0  }
0x12: {  	v2 =	vmulhi.u32 $0x4EC4EC4F, v1  }
0x13: {  	[tilespmem:s2], [sflag:$0x2] =	stream.linear.gather [hbm4b:s4+s2], $0xD00, $0x38;
	[tilespmem:$0x1AD00] =	vst v63  }
0x14: {  	_ =	swait.ge [sflag:s7], $0xD00;
	v2 =	vshrl.u32 v2, $0x3  }
0x15: {  	[sflag:s7] =	ssyncset.done $0x0;
	v2 =	vmul.u32 $0x1A, v2  }
0x16: {  	[sflag:s7] =	ssyncadd.s32 $0xFFFFF300  }
0x17: {  	v3 =	vsub.s32 v1, v2;
	v2 =	vld [tilespmem:s2+$0x0];
	_ =	sdelay $0x1  }
0x18: {  	s16 =	simm.s32 $0x10  }
0x19: {  	s17 =	simm.s32 $0x20;
	v1 =	vor.u32 s16, v0;
	s16 =	simm.s32 $0x0;
	v3 =	vmul.u32 $0x186A0, v3  }
.LBB2_2:
0x1a: {  	p0 =	sne.s32 s17, $0xCF0;
	v4 =	vmulhi.u32 $0x4EC4EC4F, v1  }
0x1b: {  	v2 =	vadd.s32 v3, v2  }
.Ltmp0:
0x1c: {  	v3 =	vshrl.u32 v4, $0x3;
	[tilespmem:s16+$0x0] =	vst v2;
	s16 =	sadd.s32 $0x10, s16;
	(pc) =	sbr.rel @p0 .LBB2_2-.Ltmp0, $3  }
0x1d: {  	v3 =	vmul.u32 $0x1A, v3;
	v2 =	vld [tilespmem:s16+$0x0];
	_ =	sdelay $0x1  }
0x1e: {  	v3 =	vsub.s32 v1, v3  }
0x1f: {  	v1 =	vor.u32 s17, v0;
	s17 =	sadd.s32 $0x10, s17;
	v3 =	vmul.u32 $0x186A0, v3  }
0x20: {  	v4 =	vmulhi.u32 $0x4EC4EC4F, v1  }
0x21: {  	v2 =	vadd.s32 v3, v2  }
0x22: {  	s17 =	sadd.s32 $0x10, s16;
	v3 =	vshrl.u32 v4, $0x3;
	[tilespmem:s16+$0x0] =	vst v2  }
0x23: {  	v2 =	vmul.u32 $0x1A, v3;
	v3 =	vld [tilespmem:s17+$0x0];
	_ =	sdelay $0x1  }
0x24: {  	v1 =	vsub.s32 v1, v2  }
0x25: {  	v1 =	vmul.u32 $0x186A0, v1;
	_ =	sdelay $0x1  }
0x26: {  	v1 =	vadd.s32 v1, v3  }
0x27: {  	[tilespmem:s17+$0x0] =	vst v1  }
0x28: {  	[tilespmem:s9], [sflag:$0x1] =	stream.indirect.gather [hbm4b:s3+s8], $0x20, s2, s8, $0xb8;
	[tilespmem:$0x1AD00] =	vst v63  }
0x29: {  	s17 =	simm.s32 $0x1D00  }
0x2a: {  	[tilespmem:s17], [sflag:$0x1] =	stream.indirect.gather [hbm4b:s3+s8], $0x20, s8, s8, $0xb8;
	[tilespmem:$0x1AD00] =	vst v63  }
0x2b: {  	s16 =	simm.s32 $0x100;
	s17 =	simm.s32 $0x2D00  }
0x2c: {  	[tilespmem:s17], [sflag:$0x1] =	stream.indirect.gather [hbm4b:s3+s8], $0x20, s16, s8, $0xb8;
	[tilespmem:$0x1AD00] =	vst v63  }
0x2d: {  	s16 =	simm.s32 $0x180;
	s17 =	simm.s32 $0x3D00  }
0x2e: {  	[tilespmem:s17], [sflag:$0x1] =	stream.indirect.gather [hbm4b:s3+s8], $0x20, s16, s8, $0xb8;
	[tilespmem:$0x1AD00] =	vst v63  }
0x2f: {  	s16 =	simm.s32 $0x200;
	s17 =	simm.s32 $0x4D00  }
0x30: {  	[tilespmem:s17], [sflag:$0x1] =	stream.indirect.gather [hbm4b:s3+s8], $0x20, s16, s8, $0xb8;
	[tilespmem:$0x1AD00] =	vst v63  }
0x31: {  	s16 =	simm.s32 $0x280;
	s17 =	simm.s32 $0x5D00  }
0x32: {  	[tilespmem:s17], [sflag:$0x1] =	stream.indirect.gather [hbm4b:s3+s8], $0x20, s16, s8, $0xb8;
	[tilespmem:$0x1AD00] =	vst v63  }
0x33: {  	s16 =	simm.s32 $0x300;
	s17 =	simm.s32 $0x6D00  }
0x34: {  	[tilespmem:s17], [sflag:$0x1] =	stream.indirect.gather [hbm4b:s3+s8], $0x20, s16, s8, $0xb8;
	[tilespmem:$0x1AD00] =	vst v63  }
0x35: {  	s16 =	simm.s32 $0x380;
	s17 =	simm.s32 $0x7D00  }
0x36: {  	[tilespmem:s17], [sflag:$0x1] =	stream.indirect.gather [hbm4b:s3+s8], $0x20, s16, s8, $0xb8;
	[tilespmem:$0x1AD00] =	vst v63  }
0x37: {  	s16 =	simm.s32 $0x400;
	s17 =	simm.s32 $0x8D00  }
0x38: {  	[tilespmem:s17], [sflag:$0x1] =	stream.indirect.gather [hbm4b:s3+s8], $0x20, s16, s8, $0xb8;
	[tilespmem:$0x1AD00] =	vst v63  }
0x39: {  	s16 =	simm.s32 $0x480;
	s17 =	simm.s32 $0x9D00  }
0x3a: {  	[tilespmem:s17], [sflag:$0x1] =	stream.indirect.gather [hbm4b:s3+s8], $0x20, s16, s8, $0xb8;
	[tilespmem:$0x1AD00] =	vst v63  }
0x3b: {  	s16 =	simm.s32 $0x500;
	s17 =	simm.s32 $0xAD00  }
0x3c: {  	[tilespmem:s17], [sflag:$0x1] =	stream.indirect.gather [hbm4b:s3+s8], $0x20, s16, s8, $0xb8;
	[tilespmem:$0x1AD00] =	vst v63  }
0x3d: {  	s16 =	simm.s32 $0x580;
	s17 =	simm.s32 $0xBD00  }
0x3e: {  	[tilespmem:s17], [sflag:$0x1] =	stream.indirect.gather [hbm4b:s3+s8], $0x20, s16, s8, $0xb8;
	[tilespmem:$0x1AD00] =	vst v63  }
0x3f: {  	s16 =	simm.s32 $0x600;
	s17 =	simm.s32 $0xCD00  }
0x40: {  	[tilespmem:s17], [sflag:$0x1] =	stream.indirect.gather [hbm4b:s3+s8], $0x20, s16, s8, $0xb8;
	[tilespmem:$0x1AD00] =	vst v63  }
0x41: {  	_ =	swait.ge [sflag:s10], $0x1000  }
0x42: {  	[sflag:s10] =	ssyncset.done $0x0  }
0x43: {  	[sflag:s10] =	ssyncadd.s32 $0xFFFFF000  }
0x44: {  	_ =	swait.ge [sflag:s10], $0x1000  }
0x45: {  	[sflag:s10] =	ssyncset.done $0x0  }
0x46: {  	[sflag:s10] =	ssyncadd.s32 $0xFFFFF000  }
0x47: {  	_ =	swait.ge [sflag:s10], $0x1000  }
0x48: {  	[sflag:s10] =	ssyncset.done $0x0  }
0x49: {  	[sflag:s10] =	ssyncadd.s32 $0xFFFFF000  }
0x4a: {  	_ =	swait.ge [sflag:s10], $0x1000  }
0x4b: {  	[sflag:s10] =	ssyncset.done $0x0  }
0x4c: {  	[sflag:s10] =	ssyncadd.s32 $0xFFFFF000  }
0x4d: {  	_ =	swait.ge [sflag:s10], $0x1000  }
0x4e: {  	[sflag:s10] =	ssyncset.done $0x0  }
0x4f: {  	[sflag:s10] =	ssyncadd.s32 $0xFFFFF000  }
0x50: {  	_ =	swait.ge [sflag:s10], $0x1000  }
0x51: {  	[sflag:s10] =	ssyncset.done $0x0  }
0x52: {  	[sflag:s10] =	ssyncadd.s32 $0xFFFFF000  }
0x53: {  	_ =	swait.ge [sflag:s10], $0x1000  }
0x54: {  	[sflag:s10] =	ssyncset.done $0x0  }
0x55: {  	[sflag:s10] =	ssyncadd.s32 $0xFFFFF000  }
0x56: {  	_ =	swait.ge [sflag:s10], $0x1000  }
0x57: {  	[sflag:s10] =	ssyncset.done $0x0  }
0x58: {  	[sflag:s10] =	ssyncadd.s32 $0xFFFFF000  }
0x59: {  	_ =	swait.ge [sflag:s10], $0x1000  }
0x5a: {  	[sflag:s10] =	ssyncset.done $0x0  }
0x5b: {  	[sflag:s10] =	ssyncadd.s32 $0xFFFFF000  }
0x5c: {  	_ =	swait.ge [sflag:s10], $0x1000  }
0x5d: {  	[sflag:s10] =	ssyncset.done $0x0  }
0x5e: {  	[sflag:s10] =	ssyncadd.s32 $0xFFFFF000  }
0x5f: {  	_ =	swait.ge [sflag:s10], $0x1000  }
0x60: {  	[sflag:s10] =	ssyncset.done $0x0  }
0x61: {  	[sflag:s10] =	ssyncadd.s32 $0xFFFFF000  }
0x62: {  	_ =	swait.ge [sflag:s10], $0x1000  }
0x63: {  	[sflag:s10] =	ssyncset.done $0x0  }
0x64: {  	[sflag:s10] =	ssyncadd.s32 $0xFFFFF000  }
0x65: {  	_ =	swait.ge [sflag:s10], $0x1000  }
0x66: {  	[sflag:s10] =	ssyncset.done $0x0  }
0x67: {  	s16 =	simm.s32 $0x680;
	s17 =	simm.s32 $0xDD00;
	[sflag:s10] =	ssyncadd.s32 $0xFFFFF000  }
0x68: {  	[tilespmem:s17], [sflag:$0x1] =	stream.indirect.gather [hbm4b:s3+s8], $0x20, s16, s8, $0xb8;
	[tilespmem:$0x1AD00] =	vst v63  }
0x69: {  	s16 =	simm.s32 $0x700;
	s17 =	simm.s32 $0xED00  }
0x6a: {  	[tilespmem:s17], [sflag:$0x1] =	stream.indirect.gather [hbm4b:s3+s8], $0x20, s16, s8, $0xb8;
	[tilespmem:$0x1AD00] =	vst v63  }
0x6b: {  	s16 =	simm.s32 $0x780;
	s17 =	simm.s32 $0xFD00  }
0x6c: {  	[tilespmem:s17], [sflag:$0x1] =	stream.indirect.gather [hbm4b:s3+s8], $0x20, s16, s8, $0xb8;
	[tilespmem:$0x1AD00] =	vst v63  }
0x6d: {  	s17 =	simm.s32 $0x800  }
0x6e: {  	[tilespmem:s18], [sflag:$0x1] =	stream.indirect.gather [hbm4b:s3+s8], $0x20, s17, s8, $0xb8;
	[tilespmem:$0x1AD00] =	vst v63  }
0x6f: {  	_ = 	snop  }
0x70: {  	[tilespmem:s20], [sflag:$0x1] =	stream.indirect.gather [hbm4b:s3+s8], $0x20, s19, s8, $0xb8;
	[tilespmem:$0x1AD00] =	vst v63  }
0x71: {  	_ = 	snop  }
0x72: {  	[tilespmem:s22], [sflag:$0x1] =	stream.indirect.gather [hbm4b:s3+s8], $0x20, s21, s8, $0xb8;
	[tilespmem:$0x1AD00] =	vst v63  }
0x73: {  	_ = 	snop  }
0x74: {  	[tilespmem:s24], [sflag:$0x1] =	stream.indirect.gather [hbm4b:s3+s8], $0x20, s23, s8, $0xb8;
	[tilespmem:$0x1AD00] =	vst v63  }
0x75: {  	_ = 	snop  }
0x76: {  	[tilespmem:s26], [sflag:$0x1] =	stream.indirect.gather [hbm4b:s3+s8], $0x20, s25, s8, $0xb8;
	[tilespmem:$0x1AD00] =	vst v63  }
0x77: {  	_ = 	snop  }
0x78: {  	[tilespmem:s29], [sflag:$0x1] =	stream.indirect.gather [hbm4b:s3+s8], $0x20, s28, s8, $0xb8;
	[tilespmem:$0x1AD00] =	vst v63  }
0x79: {  	_ = 	snop  }
0x7a: {  	[tilespmem:s31], [sflag:$0x1] =	stream.indirect.gather [hbm4b:s3+s8], $0x20, s30, s8, $0xb8;
	[tilespmem:$0x1AD00] =	vst v63  }
0x7b: {  	_ = 	snop  }
0x7c: {  	[tilespmem:s0], [sflag:$0x1] =	stream.indirect.gather [hbm4b:s3+s8], $0x20, s1, s8, $0xb8;
	[tilespmem:$0x1AD00] =	vst v63  }
0x7d: {  	_ = 	snop  }
0x7e: {  	[tilespmem:s12], [sflag:$0x1] =	stream.indirect.gather [hbm4b:s3+s8], $0x20, s11, s8, $0xb8;
	[tilespmem:$0x1AD00] =	vst v63  }
0x7f: {  	_ = 	snop  }
0x80: {  	[tilespmem:s14], [sflag:$0x1] =	stream.indirect.gather [hbm4b:s3+s8], $0x20, s13, s8, $0xb8;
	[tilespmem:$0x1AD00] =	vst v63  }
0x81: {  	_ =	swait.ge [sflag:s10], $0x1000  }
0x82: {  	[sflag:s10] =	ssyncset.done $0x0  }
0x83: {  	[sflag:s10] =	ssyncadd.s32 $0xFFFFF000  }
0x84: {  	_ =	swait.ge [sflag:s10], $0x1000  }
0x85: {  	[sflag:s10] =	ssyncset.done $0x0  }
0x86: {  	[sflag:s10] =	ssyncadd.s32 $0xFFFFF000  }
0x87: {  	_ =	swait.ge [sflag:s10], $0x1000  }
0x88: {  	[sflag:s10] =	ssyncset.done $0x0  }
0x89: {  	[sflag:s10] =	ssyncadd.s32 $0xFFFFF000  }
0x8a: {  	_ =	swait.ge [sflag:s10], $0x1000  }
0x8b: {  	[sflag:s10] =	ssyncset.done $0x0  }
0x8c: {  	[sflag:s10] =	ssyncadd.s32 $0xFFFFF000  }
0x8d: {  	_ =	swait.ge [sflag:s10], $0x1000  }
0x8e: {  	[sflag:s10] =	ssyncset.done $0x0  }
0x8f: {  	[sflag:s10] =	ssyncadd.s32 $0xFFFFF000  }
0x90: {  	_ =	swait.ge [sflag:s10], $0x1000  }
0x91: {  	[sflag:s10] =	ssyncset.done $0x0  }
0x92: {  	[sflag:s10] =	ssyncadd.s32 $0xFFFFF000  }
0x93: {  	_ =	swait.ge [sflag:s10], $0x1000  }
0x94: {  	[sflag:s10] =	ssyncset.done $0x0  }
0x95: {  	[sflag:s10] =	ssyncadd.s32 $0xFFFFF000  }
0x96: {  	_ =	swait.ge [sflag:s10], $0x1000  }
0x97: {  	[sflag:s10] =	ssyncset.done $0x0  }
0x98: {  	[sflag:s10] =	ssyncadd.s32 $0xFFFFF000  }
0x99: {  	_ =	swait.ge [sflag:s10], $0x1000  }
0x9a: {  	[sflag:s10] =	ssyncset.done $0x0  }
0x9b: {  	[sflag:s10] =	ssyncadd.s32 $0xFFFFF000  }
0x9c: {  	_ =	swait.ge [sflag:s10], $0x1000  }
0x9d: {  	[sflag:s10] =	ssyncset.done $0x0  }
0x9e: {  	[sflag:s10] =	ssyncadd.s32 $0xFFFFF000  }
0x9f: {  	_ =	swait.ge [sflag:s10], $0x1000  }
0xa0: {  	[sflag:s10] =	ssyncset.done $0x0  }
0xa1: {  	[sflag:s10] =	ssyncadd.s32 $0xFFFFF000  }
0xa2: {  	_ =	swait.ge [sflag:s10], $0x1000  }
0xa3: {  	[sflag:s10] =	ssyncset.done $0x0  }
0xa4: {  	[sflag:s10] =	ssyncadd.s32 $0xFFFFF000  }
0xa5: {  	s15 =	sadd.s32 $0x1, s15;
	_ =	swait.ge [sflag:s10], $0x1000  }
0xa6: {  	p0 =	sne.s32 s15, s6;
	[sflag:s10] =	ssyncset.done $0x0  }
.Ltmp1:
0xa7: {  	[sflag:s10] =	ssyncadd.s32 $0xFFFFF000;
	(pc) =	sbr.rel @p0 .LBB2_1-.Ltmp1, $4  }
0xa8: {  	[hbm4b:s5+s2] =	stream.linear.scatter [tilespmem:s9], [sflag:$0x2], $0x1A000, $0x38;
	[tilespmem:$0x1AD00] =	vst v63  }
0xa9: {  	_ =	swait.ge [sflag:s7], $0x1A000  }
0xaa: {  	[sflag:s7] =	ssyncset.done $0x0  }
0xab: {  	[sflag:s7] =	ssyncadd.s32 $0xFFFE6000  }
0xac: {  	_ =	sfence.sel $0x180000  }
0xad: {  	[bflag:$0x0] =	sbarrier.arrive $0xFFFF  }
0xae: {  	_ =	strace $0x90000047  }
0xaf: {  	s0 =	stileid.u32;
	[bflag:$0x2] =	sbarrier.arrive $0xFFFF  }
0xb0: {  	p0 =	sne.s32 s0, $0x0;
	s0 =	rddreg [dreg:$0x3]  }
0xb1: {  	s0 =	sadd.s32 @!p0 $0x100000, s0  }
0xb2: {  	[sflag:s0] =	ssyncadd.tile.s32 @!p0 $0x1;
	_ =	shalt  }
.Lfunc_end2:
_tile_overlayer_lowered:
.L_overlay_start_2:
0xb3: {  	(tag) =	ssettag $0x2  }
0xb4: {  	s0 =	rddreg [dreg:$0x0];
	s2 =	stileid.u32  }
0xb5: {  	s1 =	rddreg [dreg:$0x1];
	p0 =	sne.s32 s2, $0x0  }
0xb6: {  	s3 =	rddreg [dreg:$0x2];
	[bflag:$0x3] =	sbarrier.arrive $0xFFFF;
	s2 =	simm.s32 @!p0 $0x1C02  }
0xb7: {  	[timem:s3], [sflag:s2] =	dma.local @!p0 [hbm:s0], s1  }
0xb8: {  	s0 =	simm.s32 @!p0 $0x2  }
0xb9: {  	_ =	swait.ge @!p0 [sflag:s0], s1  }
0xba: {  	s1 =	ssub.s32 @!p0 $0x0, s1;
	[sflag:s0] =	ssyncset.done @!p0 $0x0  }
0xbb: {  	[sflag:s0] =	ssyncadd.s32 @!p0 s1  }
0xbc: {  	[bflag:$0x3] =	sbarrier.arrive $0xFFFF  }
0xbd: {  	_ =	shalt  }

</sc_bundles>
